<compile_context>
chip_gen: v7x
topology: tpu7x:2x2x1
jax: 0.10.2.dev20260603
libtpu: 0.0.44.dev20260713+nightly
codegen_flags: <defaults>
</compile_context>

<pallas_src>
import functools

import jax
import jax.numpy as jnp
import numpy as np
from jax import lax
from jax.experimental import pallas as pl
from jax.experimental.pallas import tpu as pltpu
from jax.experimental.pallas import tpu_sc as plsc

_NW = 32
_CH = 4096
_NT = 127
_LEVELS = 7
_UNROLL = 8


def _eytzinger_perm() -> np.ndarray:
    perm = np.zeros(_NT, np.int64)
    cnt = 0
    stack, node, mode = [], 0, 0
    while stack or node < _NT:
        while node < _NT:
            stack.append(node)
            node = 2 * node + 1
        node = stack.pop()
        perm[node] = cnt
        cnt += 1
        node = 2 * node + 2
    return perm


_EYT = _eytzinger_perm()


def _tables(W1, b1, W2, b2):
    w1 = W1[0, :].astype(jnp.float32)
    b1 = b1.astype(jnp.float32)
    inf = jnp.float32(jnp.inf)
    live = w1 != 0.0
    t = jnp.where(live, -b1 / jnp.where(live, w1, 1.0), inf)
    const = jnp.where(live, 0.0, jax.nn.relu(b1))[:, None] * W2
    c0_extra = jnp.sum(const, axis=0)

    order = jnp.argsort(t)
    ts = t[order]
    w1s = w1[order]
    b1s = b1[order]
    w2s = W2[order, :]
    pos = (w1s > 0.0)[:, None]

    da = jnp.where(pos, 1.0, -1.0) * w1s[:, None] * w2s
    dc = jnp.where(pos, 1.0, -1.0) * b1s[:, None] * w2s
    dead = ~jnp.isfinite(ts)[:, None]
    da = jnp.where(dead, 0.0, da)
    dc = jnp.where(dead, 0.0, dc)

    neg_on = ((w1s < 0.0) & jnp.isfinite(ts))[:, None]
    a0 = jnp.sum(jnp.where(neg_on, w1s[:, None] * w2s, 0.0), axis=0)
    c0 = b2 + c0_extra + jnp.sum(jnp.where(neg_on, b1s[:, None] * w2s, 0.0),
                                 axis=0)

    apad = jnp.concatenate([da, jnp.zeros((_NT - 75, 4), jnp.float32)], 0)
    cpad = jnp.concatenate([dc, jnp.zeros((_NT - 75, 4), jnp.float32)], 0)
    a_tab = a0[None, :] + jnp.concatenate(
        [jnp.zeros((1, 4), jnp.float32), jnp.cumsum(apad, axis=0)], 0)
    c_tab = c0[None, :] + jnp.concatenate(
        [jnp.zeros((1, 4), jnp.float32), jnp.cumsum(cpad, axis=0)], 0)
    coef = jnp.concatenate([a_tab, c_tab], axis=1).reshape(-1)

    ts_pad = jnp.concatenate([ts, jnp.full((_NT - 75,), inf, jnp.float32)])
    tree = ts_pad[jnp.asarray(_EYT)]
    tree = jnp.concatenate([tree, jnp.zeros((1,), jnp.float32)])
    return tree, coef


def _sc_body(x_hbm, tree_hbm, coef_hbm, root_hbm, out_hbm, xv, ov, treev,
             coefv, rootv):
    nc = 2
    wid = lax.axis_index("s") * nc + lax.axis_index("c")
    ew = x_hbm.shape[0] // _NW
    base = wid * ew
    pltpu.sync_copy(tree_hbm, treev)
    pltpu.sync_copy(coef_hbm, coefv)
    pltpu.sync_copy(root_hbm, rootv)
    lane = lax.iota(jnp.int32, 16)

    def chunk_body(c, _):
        cbase = base + c * _CH
        pltpu.sync_copy(x_hbm.at[pl.ds(cbase, _CH)], xv)

        def vec_body(i, _):
            xs, idxs = [], []
            for v in range(_UNROLL):
                xx = xv[pl.ds((i * _UNROLL + v) * 16, 16)]
                xs.append(xx)
                idxs.append(1 + (xx >= rootv[...]).astype(jnp.int32))
            for v in range(_UNROLL):
                row = (i * _UNROLL + v) * 16 + lane
                for j in range(4):
                    col = jnp.full((16,), j, jnp.int32)
                    plsc.store_scatter(ov, [row, col], xs[v] + idxs[v].astype(jnp.float32))
            return 0

        lax.fori_loop(0, _CH // (16 * _UNROLL), vec_body, 0)
        pltpu.sync_copy(ov, out_hbm.at[pl.ds(cbase, _CH)])
        return 0

    lax.fori_loop(0, ew // _CH, chunk_body, 0)


def kernel(rx, phase, W1, b1, W2, b2):
    del phase
    n = rx.shape[0]
    tree, coef = _tables(W1, b1, W2, b2)

    run = pl.kernel(
        _sc_body,
        mesh=plsc.VectorSubcoreMesh(core_axis_name="c", subcore_axis_name="s"),
        out_type=jax.ShapeDtypeStruct((n, 4), jnp.float32),
        scratch_types=[
            pltpu.VMEM((_CH,), jnp.float32),
            pltpu.VMEM((_CH, 4), jnp.float32),
            pltpu.VMEM((128,), jnp.float32),
            pltpu.VMEM((1024,), jnp.float32),
            pltpu.VMEM((16,), jnp.float32),
        ],
        compiler_params=pltpu.CompilerParams(needs_layout_passes=False,
                                             use_tc_tiling_on_sc=False),
    )
    root = jnp.broadcast_to(tree[0], (16,))
    return run(rx.reshape(n), tree, coef, root)

# --- scband reference (transcript-rebuilt; emitter-appended) ---
"""Pipeline reference for scband-viterbi-net-detector-16028817949030 (READ-ONLY COPY).

The authoritative reference and input builder live on the scoring server;
editing this copy changes nothing except your own understanding.
"""

import jax, jax.numpy as jnp
import numpy as np

N = 4194304
HIDDEN1_SIZE = 75
N_STATES = 4


def setup_inputs(seed: int = 0) -> dict:
    key = jax.random.key(seed)
    k1, k2, k3, k4, k5 = jax.random.split(key, 5)
    rx = jax.random.normal(k1, (N, 1), dtype=jnp.float32)
    # Linear(1, HIDDEN1_SIZE): weight [1,75], bias [75] (stored transposed vs torch)
    W1 = jax.random.normal(k2, (1, HIDDEN1_SIZE), dtype=jnp.float32) * 1.0
    b1 = jax.random.normal(k3, (HIDDEN1_SIZE,), dtype=jnp.float32) * 0.1
    # Linear(HIDDEN1_SIZE, N_STATES): weight [75,4], bias [4]
    W2 = jax.random.normal(k4, (HIDDEN1_SIZE, N_STATES), dtype=jnp.float32) * (1.0 / np.sqrt(HIDDEN1_SIZE))
    b2 = jax.random.normal(k5, (N_STATES,), dtype=jnp.float32) * 0.1
    # phase = 0 encodes 'train' (the non-Viterbi-trellis branch): forward just returns the NN priors
    return {"rx": rx, "phase": 0, "W1": W1, "b1": b1, "W2": W2, "b2": b2}


def reference(rx, phase, W1, b1, W2, b2):
    # ViterbiNetDetector.forward with phase='train':
    #   priors = self.net(rx)  where net = Linear(1,75) -> ReLU -> Linear(75,n_states)
    #   return priors  (shape [N, n_states])
    h = jax.nn.relu(rx @ W1 + b1)
    priors = h @ W2 + b2
    return priors

if __name__ == "__main__":
    import jax
    _d = setup_inputs()
    print(jax.jit(kernel)(*tuple(_d.values())))

</pallas_src>

<mosaic_0001>
#map = affine_map<(d0, d1) -> (0)>
#map1 = affine_map<(d0, d1) -> (0, 0)>
module attributes {stable_mosaic.version = 14 : i64} {
  func.func @_sc_body(%arg0: i32, %arg1: i32, %arg2: memref<4194304xf32, #tpu.memory_space<hbm>>, %arg3: memref<128xf32, #tpu.memory_space<hbm>>, %arg4: memref<1024xf32, #tpu.memory_space<hbm>>, %arg5: memref<16xf32, #tpu.memory_space<hbm>>, %arg6: memref<4194304x4xf32, #tpu.memory_space<hbm>>, %arg7: memref<4096xf32, #tpu.memory_space<vmem>>, %arg8: memref<4096x4xf32, #tpu.memory_space<vmem>>, %arg9: memref<128xf32, #tpu.memory_space<vmem>>, %arg10: memref<1024xf32, #tpu.memory_space<vmem>>, %arg11: memref<16xf32, #tpu.memory_space<vmem>>) attributes {dimension_semantics = [#tpu.dimension_semantics<core_parallel>, #tpu.dimension_semantics<subcore_parallel>], iteration_bounds = array<i64: 2, 16>, scalar_prefetch = 0 : i64, scratch_operands = 5 : i64, tpu.core_type = #tpu.core_type<sc_vector_subcore>, window_params = [{transform_indices = #map}, {transform_indices = #map}, {transform_indices = #map}, {transform_indices = #map}, {transform_indices = #map1}]} {
    %mul3A = arith.constant 2 : i32
    %mul3A_0 = arith.muli %arg1, %mul3A : i32
    %add3A = arith.addi %mul3A_0, %arg0 : i32
    %mul3A_1 = arith.constant 131072 : i32
    %mul3A_2 = arith.muli %add3A, %mul3A_1 : i32
    "tpu.region"() ({
      %run_scoped3A = tpu.sem_alloc : memref<!tpu.dma_semaphore, #tpu.memory_space<semaphore_mem>>
      tpu.enqueue_dma source(%arg3 : memref<128xf32, #tpu.memory_space<hbm>>) target(%arg9 : memref<128xf32, #tpu.memory_space<vmem>>) target_semaphore(%run_scoped3A : memref<!tpu.dma_semaphore, #tpu.memory_space<semaphore_mem>>)
      tpu.wait_dma2 semaphore(%run_scoped3A : memref<!tpu.dma_semaphore, #tpu.memory_space<semaphore_mem>>) src(%arg3 : memref<128xf32, #tpu.memory_space<hbm>>) dst(%arg9 : memref<128xf32, #tpu.memory_space<vmem>>)
      tpu.yield
    }) : () -> ()
    "tpu.region"() ({
      %run_scoped3A = tpu.sem_alloc : memref<!tpu.dma_semaphore, #tpu.memory_space<semaphore_mem>>
      tpu.enqueue_dma source(%arg4 : memref<1024xf32, #tpu.memory_space<hbm>>) target(%arg10 : memref<1024xf32, #tpu.memory_space<vmem>>) target_semaphore(%run_scoped3A : memref<!tpu.dma_semaphore, #tpu.memory_space<semaphore_mem>>)
      tpu.wait_dma2 semaphore(%run_scoped3A : memref<!tpu.dma_semaphore, #tpu.memory_space<semaphore_mem>>) src(%arg4 : memref<1024xf32, #tpu.memory_space<hbm>>) dst(%arg10 : memref<1024xf32, #tpu.memory_space<vmem>>)
      tpu.yield
    }) : () -> ()
    "tpu.region"() ({
      %run_scoped3A = tpu.sem_alloc : memref<!tpu.dma_semaphore, #tpu.memory_space<semaphore_mem>>
      tpu.enqueue_dma source(%arg5 : memref<16xf32, #tpu.memory_space<hbm>>) target(%arg11 : memref<16xf32, #tpu.memory_space<vmem>>) target_semaphore(%run_scoped3A : memref<!tpu.dma_semaphore, #tpu.memory_space<semaphore_mem>>)
      tpu.wait_dma2 semaphore(%run_scoped3A : memref<!tpu.dma_semaphore, #tpu.memory_space<semaphore_mem>>) src(%arg5 : memref<16xf32, #tpu.memory_space<hbm>>) dst(%arg11 : memref<16xf32, #tpu.memory_space<vmem>>)
      tpu.yield
    }) : () -> ()
    %iota3A = tpu.iota {dimensions = array<i32: 0>} : vector<16xi32>
    %scan3A = arith.constant 0 : i32
    %scan3A_3 = arith.constant 0 : i32
    %scan3A_4 = arith.constant 32 : i32
    %scan3A_5 = arith.addi %scan3A_3, %scan3A_4 : i32
    %scan3A_6 = arith.constant 1 : i32
    %scan3A_7 = scf.for %scan3A_9 = %scan3A_3 to %scan3A_5 step %scan3A_6 iter_args(%scan3A_10 = %scan3A) -> (i32)  : i32 {
      %mul3A_11 = arith.constant 4096 : i32
      %mul3A_12 = arith.muli %scan3A_9, %mul3A_11 : i32
      %add3A_13 = arith.addi %mul3A_2, %mul3A_12 : i32
      "tpu.region"() ({
        %run_scoped3A = tpu.sem_alloc : memref<!tpu.dma_semaphore, #tpu.memory_space<semaphore_mem>>
        %dma_start3A = tpu.memref_slice %arg2[%add3A_13] : memref<4194304xf32, #tpu.memory_space<hbm>> -> memref<4096xf32, #tpu.memory_space<hbm>>
        %dma_start3A_22 = tpu.memref_slice %arg2[%add3A_13] : memref<4194304xf32, #tpu.memory_space<hbm>> -> memref<4096xf32, #tpu.memory_space<hbm>>
        tpu.enqueue_dma source(%dma_start3A_22 : memref<4096xf32, #tpu.memory_space<hbm>>) target(%arg7 : memref<4096xf32, #tpu.memory_space<vmem>>) target_semaphore(%run_scoped3A : memref<!tpu.dma_semaphore, #tpu.memory_space<semaphore_mem>>)
        %dma_wait3A = tpu.memref_slice %arg2[%add3A_13] : memref<4194304xf32, #tpu.memory_space<hbm>> -> memref<4096xf32, #tpu.memory_space<hbm>>
        %dma_wait3A_23 = tpu.memref_slice %arg2[%add3A_13] : memref<4194304xf32, #tpu.memory_space<hbm>> -> memref<4096xf32, #tpu.memory_space<hbm>>
        tpu.wait_dma2 semaphore(%run_scoped3A : memref<!tpu.dma_semaphore, #tpu.memory_space<semaphore_mem>>) src(%dma_wait3A_23 : memref<4096xf32, #tpu.memory_space<hbm>>) dst(%arg7 : memref<4096xf32, #tpu.memory_space<vmem>>)
        tpu.yield
      }) : () -> ()
      %scan3A_14 = arith.constant 0 : i32
      %scan3A_15 = arith.constant 0 : i32
      %scan3A_16 = arith.constant 32 : i32
      %scan3A_17 = arith.addi %scan3A_15, %scan3A_16 : i32
      %scan3A_18 = arith.constant 1 : i32
      %scan3A_19 = scf.for %scan3A_22 = %scan3A_15 to %scan3A_17 step %scan3A_18 iter_args(%scan3A_23 = %scan3A_14) -> (i32)  : i32 {
        %mul3A_24 = arith.constant 8 : i32
        %mul3A_25 = arith.muli %scan3A_22, %mul3A_24 : i32
        %add3A_26 = arith.constant 0 : i32
        %add3A_27 = arith.addi %mul3A_25, %add3A_26 : i32
        %mul3A_28 = arith.constant 16 : i32
        %mul3A_29 = arith.muli %add3A_27, %mul3A_28 : i32
        %get3A = arith.index_cast %mul3A_29 : i32 to index
        %get3A_30 = tpu.vector_load %arg7[%get3A] {strides = array<i32>} : memref<4096xf32, #tpu.memory_space<vmem>>, vector<16xf32>,
        %get3A_31 = arith.constant 0 : index
        %get3A_32 = tpu.vector_load %arg11[%get3A_31] {strides = array<i32>} : memref<16xf32, #tpu.memory_space<vmem>>, vector<16xf32>,
        %ge3A = arith.cmpf oge, %get3A_30, %get3A_32 : vector<16xf32>
        %convert_element_type3A = arith.extui %ge3A : vector<16xi1> to vector<16xi32>
        %add3A_33 = arith.constant 1 : i32
        %add3A_34 = vector.broadcast %add3A_33 : i32 to vector<16xi32>
        %add3A_35 = arith.addi %add3A_34, %convert_element_type3A : vector<16xi32>
        %mul3A_36 = arith.constant 8 : i32
        %mul3A_37 = arith.muli %scan3A_22, %mul3A_36 : i32
        %add3A_38 = arith.constant 1 : i32
        %add3A_39 = arith.addi %mul3A_37, %add3A_38 : i32
        %mul3A_40 = arith.constant 16 : i32
        %mul3A_41 = arith.muli %add3A_39, %mul3A_40 : i32
        %get3A_42 = arith.index_cast %mul3A_41 : i32 to index
        %get3A_43 = tpu.vector_load %arg7[%get3A_42] {strides = array<i32>} : memref<4096xf32, #tpu.memory_space<vmem>>, vector<16xf32>,
        %get3A_44 = arith.constant 0 : index
        %get3A_45 = tpu.vector_load %arg11[%get3A_44] {strides = array<i32>} : memref<16xf32, #tpu.memory_space<vmem>>, vector<16xf32>,
        %ge3A_46 = arith.cmpf oge, %get3A_43, %get3A_45 : vector<16xf32>
        %convert_element_type3A_47 = arith.extui %ge3A_46 : vector<16xi1> to vector<16xi32>
        %add3A_48 = arith.constant 1 : i32
        %add3A_49 = vector.broadcast %add3A_48 : i32 to vector<16xi32>
        %add3A_50 = arith.addi %add3A_49, %convert_element_type3A_47 : vector<16xi32>
        %mul3A_51 = arith.constant 8 : i32
        %mul3A_52 = arith.muli %scan3A_22, %mul3A_51 : i32
        %add3A_53 = arith.constant 2 : i32
        %add3A_54 = arith.addi %mul3A_52, %add3A_53 : i32
        %mul3A_55 = arith.constant 16 : i32
        %mul3A_56 = arith.muli %add3A_54, %mul3A_55 : i32
        %get3A_57 = arith.index_cast %mul3A_56 : i32 to index
        %get3A_58 = tpu.vector_load %arg7[%get3A_57] {strides = array<i32>} : memref<4096xf32, #tpu.memory_space<vmem>>, vector<16xf32>,
        %get3A_59 = arith.constant 0 : index
        %get3A_60 = tpu.vector_load %arg11[%get3A_59] {strides = array<i32>} : memref<16xf32, #tpu.memory_space<vmem>>, vector<16xf32>,
        %ge3A_61 = arith.cmpf oge, %get3A_58, %get3A_60 : vector<16xf32>
        %convert_element_type3A_62 = arith.extui %ge3A_61 : vector<16xi1> to vector<16xi32>
        %add3A_63 = arith.constant 1 : i32
        %add3A_64 = vector.broadcast %add3A_63 : i32 to vector<16xi32>
        %add3A_65 = arith.addi %add3A_64, %convert_element_type3A_62 : vector<16xi32>
        %mul3A_66 = arith.constant 8 : i32
        %mul3A_67 = arith.muli %scan3A_22, %mul3A_66 : i32
        %add3A_68 = arith.constant 3 : i32
        %add3A_69 = arith.addi %mul3A_67, %add3A_68 : i32
        %mul3A_70 = arith.constant 16 : i32
        %mul3A_71 = arith.muli %add3A_69, %mul3A_70 : i32
        %get3A_72 = arith.index_cast %mul3A_71 : i32 to index
        %get3A_73 = tpu.vector_load %arg7[%get3A_72] {strides = array<i32>} : memref<4096xf32, #tpu.memory_space<vmem>>, vector<16xf32>,
        %get3A_74 = arith.constant 0 : index
        %get3A_75 = tpu.vector_load %arg11[%get3A_74] {strides = array<i32>} : memref<16xf32, #tpu.memory_space<vmem>>, vector<16xf32>,
        %ge3A_76 = arith.cmpf oge, %get3A_73, %get3A_75 : vector<16xf32>
        %convert_element_type3A_77 = arith.extui %ge3A_76 : vector<16xi1> to vector<16xi32>
        %add3A_78 = arith.constant 1 : i32
        %add3A_79 = vector.broadcast %add3A_78 : i32 to vector<16xi32>
        %add3A_80 = arith.addi %add3A_79, %convert_element_type3A_77 : vector<16xi32>
        %mul3A_81 = arith.constant 8 : i32
        %mul3A_82 = arith.muli %scan3A_22, %mul3A_81 : i32
        %add3A_83 = arith.constant 4 : i32
        %add3A_84 = arith.addi %mul3A_82, %add3A_83 : i32
        %mul3A_85 = arith.constant 16 : i32
        %mul3A_86 = arith.muli %add3A_84, %mul3A_85 : i32
        %get3A_87 = arith.index_cast %mul3A_86 : i32 to index
        %get3A_88 = tpu.vector_load %arg7[%get3A_87] {strides = array<i32>} : memref<4096xf32, #tpu.memory_space<vmem>>, vector<16xf32>,
        %get3A_89 = arith.constant 0 : index
        %get3A_90 = tpu.vector_load %arg11[%get3A_89] {strides = array<i32>} : memref<16xf32, #tpu.memory_space<vmem>>, vector<16xf32>,
        %ge3A_91 = arith.cmpf oge, %get3A_88, %get3A_90 : vector<16xf32>
        %convert_element_type3A_92 = arith.extui %ge3A_91 : vector<16xi1> to vector<16xi32>
        %add3A_93 = arith.constant 1 : i32
        %add3A_94 = vector.broadcast %add3A_93 : i32 to vector<16xi32>
        %add3A_95 = arith.addi %add3A_94, %convert_element_type3A_92 : vector<16xi32>
        %mul3A_96 = arith.constant 8 : i32
        %mul3A_97 = arith.muli %scan3A_22, %mul3A_96 : i32
        %add3A_98 = arith.constant 5 : i32
        %add3A_99 = arith.addi %mul3A_97, %add3A_98 : i32
        %mul3A_100 = arith.constant 16 : i32
        %mul3A_101 = arith.muli %add3A_99, %mul3A_100 : i32
        %get3A_102 = arith.index_cast %mul3A_101 : i32 to index
        %get3A_103 = tpu.vector_load %arg7[%get3A_102] {strides = array<i32>} : memref<4096xf32, #tpu.memory_space<vmem>>, vector<16xf32>,
        %get3A_104 = arith.constant 0 : index
        %get3A_105 = tpu.vector_load %arg11[%get3A_104] {strides = array<i32>} : memref<16xf32, #tpu.memory_space<vmem>>, vector<16xf32>,
        %ge3A_106 = arith.cmpf oge, %get3A_103, %get3A_105 : vector<16xf32>
        %convert_element_type3A_107 = arith.extui %ge3A_106 : vector<16xi1> to vector<16xi32>
        %add3A_108 = arith.constant 1 : i32
        %add3A_109 = vector.broadcast %add3A_108 : i32 to vector<16xi32>
        %add3A_110 = arith.addi %add3A_109, %convert_element_type3A_107 : vector<16xi32>
        %mul3A_111 = arith.constant 8 : i32
        %mul3A_112 = arith.muli %scan3A_22, %mul3A_111 : i32
        %add3A_113 = arith.constant 6 : i32
        %add3A_114 = arith.addi %mul3A_112, %add3A_113 : i32
        %mul3A_115 = arith.constant 16 : i32
        %mul3A_116 = arith.muli %add3A_114, %mul3A_115 : i32
        %get3A_117 = arith.index_cast %mul3A_116 : i32 to index
        %get3A_118 = tpu.vector_load %arg7[%get3A_117] {strides = array<i32>} : memref<4096xf32, #tpu.memory_space<vmem>>, vector<16xf32>,
        %get3A_119 = arith.constant 0 : index
        %get3A_120 = tpu.vector_load %arg11[%get3A_119] {strides = array<i32>} : memref<16xf32, #tpu.memory_space<vmem>>, vector<16xf32>,
        %ge3A_121 = arith.cmpf oge, %get3A_118, %get3A_120 : vector<16xf32>
        %convert_element_type3A_122 = arith.extui %ge3A_121 : vector<16xi1> to vector<16xi32>
        %add3A_123 = arith.constant 1 : i32
        %add3A_124 = vector.broadcast %add3A_123 : i32 to vector<16xi32>
        %add3A_125 = arith.addi %add3A_124, %convert_element_type3A_122 : vector<16xi32>
        %mul3A_126 = arith.constant 8 : i32
        %mul3A_127 = arith.muli %scan3A_22, %mul3A_126 : i32
        %add3A_128 = arith.constant 7 : i32
        %add3A_129 = arith.addi %mul3A_127, %add3A_128 : i32
        %mul3A_130 = arith.constant 16 : i32
        %mul3A_131 = arith.muli %add3A_129, %mul3A_130 : i32
        %get3A_132 = arith.index_cast %mul3A_131 : i32 to index
        %get3A_133 = tpu.vector_load %arg7[%get3A_132] {strides = array<i32>} : memref<4096xf32, #tpu.memory_space<vmem>>, vector<16xf32>,
        %get3A_134 = arith.constant 0 : index
        %get3A_135 = tpu.vector_load %arg11[%get3A_134] {strides = array<i32>} : memref<16xf32, #tpu.memory_space<vmem>>, vector<16xf32>,
        %ge3A_136 = arith.cmpf oge, %get3A_133, %get3A_135 : vector<16xf32>
        %convert_element_type3A_137 = arith.extui %ge3A_136 : vector<16xi1> to vector<16xi32>
        %add3A_138 = arith.constant 1 : i32
        %add3A_139 = vector.broadcast %add3A_138 : i32 to vector<16xi32>
        %add3A_140 = arith.addi %add3A_139, %convert_element_type3A_137 : vector<16xi32>
        %mul3A_141 = arith.constant 8 : i32
        %mul3A_142 = arith.muli %scan3A_22, %mul3A_141 : i32
        %add3A_143 = arith.constant 0 : i32
        %add3A_144 = arith.addi %mul3A_142, %add3A_143 : i32
        %mul3A_145 = arith.constant 16 : i32
        %mul3A_146 = arith.muli %add3A_144, %mul3A_145 : i32
        %add3A_147 = vector.broadcast %mul3A_146 : i32 to vector<16xi32>
        %add3A_148 = arith.addi %add3A_147, %iota3A : vector<16xi32>
        %broadcast_in_dim3A = arith.constant 0 : i32
        %broadcast_in_dim3A_149 = vector.broadcast %broadcast_in_dim3A : i32 to vector<16xi32>
        %convert_element_type3A_150 = arith.sitofp %add3A_35 : vector<16xi32> to vector<16xf32>
        %add3A_151 = arith.addf %get3A_30, %convert_element_type3A_150 : vector<16xf32>
        tpu.vector_store_idx %arg8[%add3A_148, %broadcast_in_dim3A_149], %add3A_151 : memref<4096x4xf32, #tpu.memory_space<vmem>>[vector<16xi32>, vector<16xi32>], vector<16xf32>,
        %broadcast_in_dim3A_152 = arith.constant 1 : i32
        %broadcast_in_dim3A_153 = vector.broadcast %broadcast_in_dim3A_152 : i32 to vector<16xi32>
        %convert_element_type3A_154 = arith.sitofp %add3A_35 : vector<16xi32> to vector<16xf32>
        %add3A_155 = arith.addf %get3A_30, %convert_element_type3A_154 : vector<16xf32>
        tpu.vector_store_idx %arg8[%add3A_148, %broadcast_in_dim3A_153], %add3A_155 : memref<4096x4xf32, #tpu.memory_space<vmem>>[vector<16xi32>, vector<16xi32>], vector<16xf32>,
        %broadcast_in_dim3A_156 = arith.constant 2 : i32
        %broadcast_in_dim3A_157 = vector.broadcast %broadcast_in_dim3A_156 : i32 to vector<16xi32>
        %convert_element_type3A_158 = arith.sitofp %add3A_35 : vector<16xi32> to vector<16xf32>
        %add3A_159 = arith.addf %get3A_30, %convert_element_type3A_158 : vector<16xf32>
        tpu.vector_store_idx %arg8[%add3A_148, %broadcast_in_dim3A_157], %add3A_159 : memref<4096x4xf32, #tpu.memory_space<vmem>>[vector<16xi32>, vector<16xi32>], vector<16xf32>,
        %broadcast_in_dim3A_160 = arith.constant 3 : i32
        %broadcast_in_dim3A_161 = vector.broadcast %broadcast_in_dim3A_160 : i32 to vector<16xi32>
        %convert_element_type3A_162 = arith.sitofp %add3A_35 : vector<16xi32> to vector<16xf32>
        %add3A_163 = arith.addf %get3A_30, %convert_element_type3A_162 : vector<16xf32>
        tpu.vector_store_idx %arg8[%add3A_148, %broadcast_in_dim3A_161], %add3A_163 : memref<4096x4xf32, #tpu.memory_space<vmem>>[vector<16xi32>, vector<16xi32>], vector<16xf32>,
        %mul3A_164 = arith.constant 8 : i32
        %mul3A_165 = arith.muli %scan3A_22, %mul3A_164 : i32
        %add3A_166 = arith.constant 1 : i32
        %add3A_167 = arith.addi %mul3A_165, %add3A_166 : i32
        %mul3A_168 = arith.constant 16 : i32
        %mul3A_169 = arith.muli %add3A_167, %mul3A_168 : i32
        %add3A_170 = vector.broadcast %mul3A_169 : i32 to vector<16xi32>
        %add3A_171 = arith.addi %add3A_170, %iota3A : vector<16xi32>
        %broadcast_in_dim3A_172 = arith.constant 0 : i32
        %broadcast_in_dim3A_173 = vector.broadcast %broadcast_in_dim3A_172 : i32 to vector<16xi32>
        %convert_element_type3A_174 = arith.sitofp %add3A_50 : vector<16xi32> to vector<16xf32>
        %add3A_175 = arith.addf %get3A_43, %convert_element_type3A_174 : vector<16xf32>
        tpu.vector_store_idx %arg8[%add3A_171, %broadcast_in_dim3A_173], %add3A_175 : memref<4096x4xf32, #tpu.memory_space<vmem>>[vector<16xi32>, vector<16xi32>], vector<16xf32>,
        %broadcast_in_dim3A_176 = arith.constant 1 : i32
        %broadcast_in_dim3A_177 = vector.broadcast %broadcast_in_dim3A_176 : i32 to vector<16xi32>
        %convert_element_type3A_178 = arith.sitofp %add3A_50 : vector<16xi32> to vector<16xf32>
        %add3A_179 = arith.addf %get3A_43, %convert_element_type3A_178 : vector<16xf32>
        tpu.vector_store_idx %arg8[%add3A_171, %broadcast_in_dim3A_177], %add3A_179 : memref<4096x4xf32, #tpu.memory_space<vmem>>[vector<16xi32>, vector<16xi32>], vector<16xf32>,
        %broadcast_in_dim3A_180 = arith.constant 2 : i32
        %broadcast_in_dim3A_181 = vector.broadcast %broadcast_in_dim3A_180 : i32 to vector<16xi32>
        %convert_element_type3A_182 = arith.sitofp %add3A_50 : vector<16xi32> to vector<16xf32>
        %add3A_183 = arith.addf %get3A_43, %convert_element_type3A_182 : vector<16xf32>
        tpu.vector_store_idx %arg8[%add3A_171, %broadcast_in_dim3A_181], %add3A_183 : memref<4096x4xf32, #tpu.memory_space<vmem>>[vector<16xi32>, vector<16xi32>], vector<16xf32>,
        %broadcast_in_dim3A_184 = arith.constant 3 : i32
        %broadcast_in_dim3A_185 = vector.broadcast %broadcast_in_dim3A_184 : i32 to vector<16xi32>
        %convert_element_type3A_186 = arith.sitofp %add3A_50 : vector<16xi32> to vector<16xf32>
        %add3A_187 = arith.addf %get3A_43, %convert_element_type3A_186 : vector<16xf32>
        tpu.vector_store_idx %arg8[%add3A_171, %broadcast_in_dim3A_185], %add3A_187 : memref<4096x4xf32, #tpu.memory_space<vmem>>[vector<16xi32>, vector<16xi32>], vector<16xf32>,
        %mul3A_188 = arith.constant 8 : i32
        %mul3A_189 = arith.muli %scan3A_22, %mul3A_188 : i32
        %add3A_190 = arith.constant 2 : i32
        %add3A_191 = arith.addi %mul3A_189, %add3A_190 : i32
        %mul3A_192 = arith.constant 16 : i32
        %mul3A_193 = arith.muli %add3A_191, %mul3A_192 : i32
        %add3A_194 = vector.broadcast %mul3A_193 : i32 to vector<16xi32>
        %add3A_195 = arith.addi %add3A_194, %iota3A : vector<16xi32>
        %broadcast_in_dim3A_196 = arith.constant 0 : i32
        %broadcast_in_dim3A_197 = vector.broadcast %broadcast_in_dim3A_196 : i32 to vector<16xi32>
        %convert_element_type3A_198 = arith.sitofp %add3A_65 : vector<16xi32> to vector<16xf32>
        %add3A_199 = arith.addf %get3A_58, %convert_element_type3A_198 : vector<16xf32>
        tpu.vector_store_idx %arg8[%add3A_195, %broadcast_in_dim3A_197], %add3A_199 : memref<4096x4xf32, #tpu.memory_space<vmem>>[vector<16xi32>, vector<16xi32>], vector<16xf32>,
        %broadcast_in_dim3A_200 = arith.constant 1 : i32
        %broadcast_in_dim3A_201 = vector.broadcast %broadcast_in_dim3A_200 : i32 to vector<16xi32>
        %convert_element_type3A_202 = arith.sitofp %add3A_65 : vector<16xi32> to vector<16xf32>
        %add3A_203 = arith.addf %get3A_58, %convert_element_type3A_202 : vector<16xf32>
        tpu.vector_store_idx %arg8[%add3A_195, %broadcast_in_dim3A_201], %add3A_203 : memref<4096x4xf32, #tpu.memory_space<vmem>>[vector<16xi32>, vector<16xi32>], vector<16xf32>,
        %broadcast_in_dim3A_204 = arith.constant 2 : i32
        %broadcast_in_dim3A_205 = vector.broadcast %broadcast_in_dim3A_204 : i32 to vector<16xi32>
        %convert_element_type3A_206 = arith.sitofp %add3A_65 : vector<16xi32> to vector<16xf32>
        %add3A_207 = arith.addf %get3A_58, %convert_element_type3A_206 : vector<16xf32>
        tpu.vector_store_idx %arg8[%add3A_195, %broadcast_in_dim3A_205], %add3A_207 : memref<4096x4xf32, #tpu.memory_space<vmem>>[vector<16xi32>, vector<16xi32>], vector<16xf32>,
        %broadcast_in_dim3A_208 = arith.constant 3 : i32
        %broadcast_in_dim3A_209 = vector.broadcast %broadcast_in_dim3A_208 : i32 to vector<16xi32>
        %convert_element_type3A_210 = arith.sitofp %add3A_65 : vector<16xi32> to vector<16xf32>
        %add3A_211 = arith.addf %get3A_58, %convert_element_type3A_210 : vector<16xf32>
        tpu.vector_store_idx %arg8[%add3A_195, %broadcast_in_dim3A_209], %add3A_211 : memref<4096x4xf32, #tpu.memory_space<vmem>>[vector<16xi32>, vector<16xi32>], vector<16xf32>,
        %mul3A_212 = arith.constant 8 : i32
        %mul3A_213 = arith.muli %scan3A_22, %mul3A_212 : i32
        %add3A_214 = arith.constant 3 : i32
        %add3A_215 = arith.addi %mul3A_213, %add3A_214 : i32
        %mul3A_216 = arith.constant 16 : i32
        %mul3A_217 = arith.muli %add3A_215, %mul3A_216 : i32
        %add3A_218 = vector.broadcast %mul3A_217 : i32 to vector<16xi32>
        %add3A_219 = arith.addi %add3A_218, %iota3A : vector<16xi32>
        %broadcast_in_dim3A_220 = arith.constant 0 : i32
        %broadcast_in_dim3A_221 = vector.broadcast %broadcast_in_dim3A_220 : i32 to vector<16xi32>
        %convert_element_type3A_222 = arith.sitofp %add3A_80 : vector<16xi32> to vector<16xf32>
        %add3A_223 = arith.addf %get3A_73, %convert_element_type3A_222 : vector<16xf32>
        tpu.vector_store_idx %arg8[%add3A_219, %broadcast_in_dim3A_221], %add3A_223 : memref<4096x4xf32, #tpu.memory_space<vmem>>[vector<16xi32>, vector<16xi32>], vector<16xf32>,
        %broadcast_in_dim3A_224 = arith.constant 1 : i32
        %broadcast_in_dim3A_225 = vector.broadcast %broadcast_in_dim3A_224 : i32 to vector<16xi32>
        %convert_element_type3A_226 = arith.sitofp %add3A_80 : vector<16xi32> to vector<16xf32>
        %add3A_227 = arith.addf %get3A_73, %convert_element_type3A_226 : vector<16xf32>
        tpu.vector_store_idx %arg8[%add3A_219, %broadcast_in_dim3A_225], %add3A_227 : memref<4096x4xf32, #tpu.memory_space<vmem>>[vector<16xi32>, vector<16xi32>], vector<16xf32>,
        %broadcast_in_dim3A_228 = arith.constant 2 : i32
        %broadcast_in_dim3A_229 = vector.broadcast %broadcast_in_dim3A_228 : i32 to vector<16xi32>
        %convert_element_type3A_230 = arith.sitofp %add3A_80 : vector<16xi32> to vector<16xf32>
        %add3A_231 = arith.addf %get3A_73, %convert_element_type3A_230 : vector<16xf32>
        tpu.vector_store_idx %arg8[%add3A_219, %broadcast_in_dim3A_229], %add3A_231 : memref<4096x4xf32, #tpu.memory_space<vmem>>[vector<16xi32>, vector<16xi32>], vector<16xf32>,
        %broadcast_in_dim3A_232 = arith.constant 3 : i32
        %broadcast_in_dim3A_233 = vector.broadcast %broadcast_in_dim3A_232 : i32 to vector<16xi32>
        %convert_element_type3A_234 = arith.sitofp %add3A_80 : vector<16xi32> to vector<16xf32>
        %add3A_235 = arith.addf %get3A_73, %convert_element_type3A_234 : vector<16xf32>
        tpu.vector_store_idx %arg8[%add3A_219, %broadcast_in_dim3A_233], %add3A_235 : memref<4096x4xf32, #tpu.memory_space<vmem>>[vector<16xi32>, vector<16xi32>], vector<16xf32>,
        %mul3A_236 = arith.constant 8 : i32
        %mul3A_237 = arith.muli %scan3A_22, %mul3A_236 : i32
        %add3A_238 = arith.constant 4 : i32
        %add3A_239 = arith.addi %mul3A_237, %add3A_238 : i32
        %mul3A_240 = arith.constant 16 : i32
        %mul3A_241 = arith.muli %add3A_239, %mul3A_240 : i32
        %add3A_242 = vector.broadcast %mul3A_241 : i32 to vector<16xi32>
        %add3A_243 = arith.addi %add3A_242, %iota3A : vector<16xi32>
        %broadcast_in_dim3A_244 = arith.constant 0 : i32
        %broadcast_in_dim3A_245 = vector.broadcast %broadcast_in_dim3A_244 : i32 to vector<16xi32>
        %convert_element_type3A_246 = arith.sitofp %add3A_95 : vector<16xi32> to vector<16xf32>
        %add3A_247 = arith.addf %get3A_88, %convert_element_type3A_246 : vector<16xf32>
        tpu.vector_store_idx %arg8[%add3A_243, %broadcast_in_dim3A_245], %add3A_247 : memref<4096x4xf32, #tpu.memory_space<vmem>>[vector<16xi32>, vector<16xi32>], vector<16xf32>,
        %broadcast_in_dim3A_248 = arith.constant 1 : i32
        %broadcast_in_dim3A_249 = vector.broadcast %broadcast_in_dim3A_248 : i32 to vector<16xi32>
        %convert_element_type3A_250 = arith.sitofp %add3A_95 : vector<16xi32> to vector<16xf32>
        %add3A_251 = arith.addf %get3A_88, %convert_element_type3A_250 : vector<16xf32>
        tpu.vector_store_idx %arg8[%add3A_243, %broadcast_in_dim3A_249], %add3A_251 : memref<4096x4xf32, #tpu.memory_space<vmem>>[vector<16xi32>, vector<16xi32>], vector<16xf32>,
        %broadcast_in_dim3A_252 = arith.constant 2 : i32
        %broadcast_in_dim3A_253 = vector.broadcast %broadcast_in_dim3A_252 : i32 to vector<16xi32>
        %convert_element_type3A_254 = arith.sitofp %add3A_95 : vector<16xi32> to vector<16xf32>
        %add3A_255 = arith.addf %get3A_88, %convert_element_type3A_254 : vector<16xf32>
        tpu.vector_store_idx %arg8[%add3A_243, %broadcast_in_dim3A_253], %add3A_255 : memref<4096x4xf32, #tpu.memory_space<vmem>>[vector<16xi32>, vector<16xi32>], vector<16xf32>,
        %broadcast_in_dim3A_256 = arith.constant 3 : i32
        %broadcast_in_dim3A_257 = vector.broadcast %broadcast_in_dim3A_256 : i32 to vector<16xi32>
        %convert_element_type3A_258 = arith.sitofp %add3A_95 : vector<16xi32> to vector<16xf32>
        %add3A_259 = arith.addf %get3A_88, %convert_element_type3A_258 : vector<16xf32>
        tpu.vector_store_idx %arg8[%add3A_243, %broadcast_in_dim3A_257], %add3A_259 : memref<4096x4xf32, #tpu.memory_space<vmem>>[vector<16xi32>, vector<16xi32>], vector<16xf32>,
        %mul3A_260 = arith.constant 8 : i32
        %mul3A_261 = arith.muli %scan3A_22, %mul3A_260 : i32
        %add3A_262 = arith.constant 5 : i32
        %add3A_263 = arith.addi %mul3A_261, %add3A_262 : i32
        %mul3A_264 = arith.constant 16 : i32
        %mul3A_265 = arith.muli %add3A_263, %mul3A_264 : i32
        %add3A_266 = vector.broadcast %mul3A_265 : i32 to vector<16xi32>
        %add3A_267 = arith.addi %add3A_266, %iota3A : vector<16xi32>
        %broadcast_in_dim3A_268 = arith.constant 0 : i32
        %broadcast_in_dim3A_269 = vector.broadcast %broadcast_in_dim3A_268 : i32 to vector<16xi32>
        %convert_element_type3A_270 = arith.sitofp %add3A_110 : vector<16xi32> to vector<16xf32>
        %add3A_271 = arith.addf %get3A_103, %convert_element_type3A_270 : vector<16xf32>
        tpu.vector_store_idx %arg8[%add3A_267, %broadcast_in_dim3A_269], %add3A_271 : memref<4096x4xf32, #tpu.memory_space<vmem>>[vector<16xi32>, vector<16xi32>], vector<16xf32>,
        %broadcast_in_dim3A_272 = arith.constant 1 : i32
        %broadcast_in_dim3A_273 = vector.broadcast %broadcast_in_dim3A_272 : i32 to vector<16xi32>
        %convert_element_type3A_274 = arith.sitofp %add3A_110 : vector<16xi32> to vector<16xf32>
        %add3A_275 = arith.addf %get3A_103, %convert_element_type3A_274 : vector<16xf32>
        tpu.vector_store_idx %arg8[%add3A_267, %broadcast_in_dim3A_273], %add3A_275 : memref<4096x4xf32, #tpu.memory_space<vmem>>[vector<16xi32>, vector<16xi32>], vector<16xf32>,
        %broadcast_in_dim3A_276 = arith.constant 2 : i32
        %broadcast_in_dim3A_277 = vector.broadcast %broadcast_in_dim3A_276 : i32 to vector<16xi32>
        %convert_element_type3A_278 = arith.sitofp %add3A_110 : vector<16xi32> to vector<16xf32>
        %add3A_279 = arith.addf %get3A_103, %convert_element_type3A_278 : vector<16xf32>
        tpu.vector_store_idx %arg8[%add3A_267, %broadcast_in_dim3A_277], %add3A_279 : memref<4096x4xf32, #tpu.memory_space<vmem>>[vector<16xi32>, vector<16xi32>], vector<16xf32>,
        %broadcast_in_dim3A_280 = arith.constant 3 : i32
        %broadcast_in_dim3A_281 = vector.broadcast %broadcast_in_dim3A_280 : i32 to vector<16xi32>
        %convert_element_type3A_282 = arith.sitofp %add3A_110 : vector<16xi32> to vector<16xf32>
        %add3A_283 = arith.addf %get3A_103, %convert_element_type3A_282 : vector<16xf32>
        tpu.vector_store_idx %arg8[%add3A_267, %broadcast_in_dim3A_281], %add3A_283 : memref<4096x4xf32, #tpu.memory_space<vmem>>[vector<16xi32>, vector<16xi32>], vector<16xf32>,
        %mul3A_284 = arith.constant 8 : i32
        %mul3A_285 = arith.muli %scan3A_22, %mul3A_284 : i32
        %add3A_286 = arith.constant 6 : i32
        %add3A_287 = arith.addi %mul3A_285, %add3A_286 : i32
        %mul3A_288 = arith.constant 16 : i32
        %mul3A_289 = arith.muli %add3A_287, %mul3A_288 : i32
        %add3A_290 = vector.broadcast %mul3A_289 : i32 to vector<16xi32>
        %add3A_291 = arith.addi %add3A_290, %iota3A : vector<16xi32>
        %broadcast_in_dim3A_292 = arith.constant 0 : i32
        %broadcast_in_dim3A_293 = vector.broadcast %broadcast_in_dim3A_292 : i32 to vector<16xi32>
        %convert_element_type3A_294 = arith.sitofp %add3A_125 : vector<16xi32> to vector<16xf32>
        %add3A_295 = arith.addf %get3A_118, %convert_element_type3A_294 : vector<16xf32>
        tpu.vector_store_idx %arg8[%add3A_291, %broadcast_in_dim3A_293], %add3A_295 : memref<4096x4xf32, #tpu.memory_space<vmem>>[vector<16xi32>, vector<16xi32>], vector<16xf32>,
        %broadcast_in_dim3A_296 = arith.constant 1 : i32
        %broadcast_in_dim3A_297 = vector.broadcast %broadcast_in_dim3A_296 : i32 to vector<16xi32>
        %convert_element_type3A_298 = arith.sitofp %add3A_125 : vector<16xi32> to vector<16xf32>
        %add3A_299 = arith.addf %get3A_118, %convert_element_type3A_298 : vector<16xf32>
        tpu.vector_store_idx %arg8[%add3A_291, %broadcast_in_dim3A_297], %add3A_299 : memref<4096x4xf32, #tpu.memory_space<vmem>>[vector<16xi32>, vector<16xi32>], vector<16xf32>,
        %broadcast_in_dim3A_300 = arith.constant 2 : i32
        %broadcast_in_dim3A_301 = vector.broadcast %broadcast_in_dim3A_300 : i32 to vector<16xi32>
        %convert_element_type3A_302 = arith.sitofp %add3A_125 : vector<16xi32> to vector<16xf32>
        %add3A_303 = arith.addf %get3A_118, %convert_element_type3A_302 : vector<16xf32>
        tpu.vector_store_idx %arg8[%add3A_291, %broadcast_in_dim3A_301], %add3A_303 : memref<4096x4xf32, #tpu.memory_space<vmem>>[vector<16xi32>, vector<16xi32>], vector<16xf32>,
        %broadcast_in_dim3A_304 = arith.constant 3 : i32
        %broadcast_in_dim3A_305 = vector.broadcast %broadcast_in_dim3A_304 : i32 to vector<16xi32>
        %convert_element_type3A_306 = arith.sitofp %add3A_125 : vector<16xi32> to vector<16xf32>
        %add3A_307 = arith.addf %get3A_118, %convert_element_type3A_306 : vector<16xf32>
        tpu.vector_store_idx %arg8[%add3A_291, %broadcast_in_dim3A_305], %add3A_307 : memref<4096x4xf32, #tpu.memory_space<vmem>>[vector<16xi32>, vector<16xi32>], vector<16xf32>,
        %mul3A_308 = arith.constant 8 : i32
        %mul3A_309 = arith.muli %scan3A_22, %mul3A_308 : i32
        %add3A_310 = arith.constant 7 : i32
        %add3A_311 = arith.addi %mul3A_309, %add3A_310 : i32
        %mul3A_312 = arith.constant 16 : i32
        %mul3A_313 = arith.muli %add3A_311, %mul3A_312 : i32
        %add3A_314 = vector.broadcast %mul3A_313 : i32 to vector<16xi32>
        %add3A_315 = arith.addi %add3A_314, %iota3A : vector<16xi32>
        %broadcast_in_dim3A_316 = arith.constant 0 : i32
        %broadcast_in_dim3A_317 = vector.broadcast %broadcast_in_dim3A_316 : i32 to vector<16xi32>
        %convert_element_type3A_318 = arith.sitofp %add3A_140 : vector<16xi32> to vector<16xf32>
        %add3A_319 = arith.addf %get3A_133, %convert_element_type3A_318 : vector<16xf32>
        tpu.vector_store_idx %arg8[%add3A_315, %broadcast_in_dim3A_317], %add3A_319 : memref<4096x4xf32, #tpu.memory_space<vmem>>[vector<16xi32>, vector<16xi32>], vector<16xf32>,
        %broadcast_in_dim3A_320 = arith.constant 1 : i32
        %broadcast_in_dim3A_321 = vector.broadcast %broadcast_in_dim3A_320 : i32 to vector<16xi32>
        %convert_element_type3A_322 = arith.sitofp %add3A_140 : vector<16xi32> to vector<16xf32>
        %add3A_323 = arith.addf %get3A_133, %convert_element_type3A_322 : vector<16xf32>
        tpu.vector_store_idx %arg8[%add3A_315, %broadcast_in_dim3A_321], %add3A_323 : memref<4096x4xf32, #tpu.memory_space<vmem>>[vector<16xi32>, vector<16xi32>], vector<16xf32>,
        %broadcast_in_dim3A_324 = arith.constant 2 : i32
        %broadcast_in_dim3A_325 = vector.broadcast %broadcast_in_dim3A_324 : i32 to vector<16xi32>
        %convert_element_type3A_326 = arith.sitofp %add3A_140 : vector<16xi32> to vector<16xf32>
        %add3A_327 = arith.addf %get3A_133, %convert_element_type3A_326 : vector<16xf32>
        tpu.vector_store_idx %arg8[%add3A_315, %broadcast_in_dim3A_325], %add3A_327 : memref<4096x4xf32, #tpu.memory_space<vmem>>[vector<16xi32>, vector<16xi32>], vector<16xf32>,
        %broadcast_in_dim3A_328 = arith.constant 3 : i32
        %broadcast_in_dim3A_329 = vector.broadcast %broadcast_in_dim3A_328 : i32 to vector<16xi32>
        %convert_element_type3A_330 = arith.sitofp %add3A_140 : vector<16xi32> to vector<16xf32>
        %add3A_331 = arith.addf %get3A_133, %convert_element_type3A_330 : vector<16xf32>
        tpu.vector_store_idx %arg8[%add3A_315, %broadcast_in_dim3A_329], %add3A_331 : memref<4096x4xf32, #tpu.memory_space<vmem>>[vector<16xi32>, vector<16xi32>], vector<16xf32>,
        %scan3A_332 = arith.constant 0 : i32
        scf.yield %scan3A_332 : i32
      }
      %scan3A_20 = arith.constant 32 : i32
      "tpu.region"() ({
        %run_scoped3A = tpu.sem_alloc : memref<!tpu.dma_semaphore, #tpu.memory_space<semaphore_mem>>
        %dma_start3A = arith.constant 0 : i32
        %dma_start3A_22 = tpu.memref_slice %arg6[%add3A_13, %dma_start3A] : memref<4194304x4xf32, #tpu.memory_space<hbm>> -> memref<4096x4xf32, #tpu.memory_space<hbm>>
        %dma_start3A_23 = arith.constant 0 : i32
        %dma_start3A_24 = tpu.memref_slice %arg6[%add3A_13, %dma_start3A_23] : memref<4194304x4xf32, #tpu.memory_space<hbm>> -> memref<4096x4xf32, #tpu.memory_space<hbm>>
        tpu.enqueue_dma source(%arg8 : memref<4096x4xf32, #tpu.memory_space<vmem>>) target(%dma_start3A_24 : memref<4096x4xf32, #tpu.memory_space<hbm>>) target_semaphore(%run_scoped3A : memref<!tpu.dma_semaphore, #tpu.memory_space<semaphore_mem>>)
        %dma_wait3A = arith.constant 0 : i32
        %dma_wait3A_25 = tpu.memref_slice %arg6[%add3A_13, %dma_wait3A] : memref<4194304x4xf32, #tpu.memory_space<hbm>> -> memref<4096x4xf32, #tpu.memory_space<hbm>>
        %dma_wait3A_26 = arith.constant 0 : i32
        %dma_wait3A_27 = tpu.memref_slice %arg6[%add3A_13, %dma_wait3A_26] : memref<4194304x4xf32, #tpu.memory_space<hbm>> -> memref<4096x4xf32, #tpu.memory_space<hbm>>
        tpu.wait_dma2 semaphore(%run_scoped3A : memref<!tpu.dma_semaphore, #tpu.memory_space<semaphore_mem>>) src(%arg8 : memref<4096x4xf32, #tpu.memory_space<vmem>>) dst(%dma_wait3A_27 : memref<4096x4xf32, #tpu.memory_space<hbm>>)
        tpu.yield
      }) : () -> ()
      %scan3A_21 = arith.constant 0 : i32
      scf.yield %scan3A_21 : i32
    }
    %scan3A_8 = arith.constant 32 : i32
    return
  }
}

</mosaic_0001>

<sc_bundles>
// kernel: kernel.3.cloned.1.call-start
scs
__scs_entry_jumppad:
0x0: {  	(pc) =	sbr.rel $0x88, $3  }
0x1: {  	(tag) =	ssettag $0x0;
	lr =	simm.s32 $0x1  }
0x2: {  	[smem:$0x3F9C] =	sst lr;
	_ =	strace $0xD0000000  }
0x3: {  	_ = 	snop  }
0x4: {  	_ = 	snop  }
0x5: {  	_ = 	snop  }
0x6: {  	_ = 	snop  }
0x7: {  	_ = 	snop  }
__scs_overlays_trampoline_lowered:
0x8: {  	[smem:$0x3FAB] =	sst s0  }
0x9: {  	[smem:$0x3FAC] =	sst s1  }
0xa: {  	[smem:$0x3FAD] =	sst s2  }
0xb: {  	[smem:$0x3FAE] =	sst s3  }
0xc: {  	[smem:$0x3FAF] =	sst s4  }
0xd: {  	[smem:$0x3FB0] =	sst s5  }
0xe: {  	[smem:$0x3FB1] =	sst s6  }
0xf: {  	[smem:$0x3FB2] =	sst s7  }
0x10: {  	[smem:$0x3FB3] =	sst s8  }
0x11: {  	[smem:$0x3FB4] =	sst s9;
	s0 =	simm.s32 @!p0 $0x0  }
0x12: {  	s1 =	sld [smem:$0x3F9A];
	s0 =	simm.s32 @p0 $0x1  }
0x13: {  	[smem:$0x3FB5] =	sst s0;
	s0 =	simm.s32 @!p1 $0x0  }
0x14: {  	s2 =	sld [smem:$0x3F99];
	s0 =	simm.s32 @p1 $0x1  }
0x15: {  	[smem:$0x3FB6] =	sst s0;
	s0 =	simm.s32 @!p2 $0x0  }
0x16: {  	s3 =	sld [smem:$0x3FDB];
	s0 =	simm.s32 @p2 $0x1  }
0x17: {  	s4 =	simm.s32 $0x1BF5;
	[smem:$0x3FB8] =	sst s0  }
0x18: {  	s0 =	sld [smem:$0x3F9B];
	_ =	swait.ge [sflag:s4], $0x0  }
0x19: {  	s7 =	sld [smem:$0x3F9C]  }
0x1a: {  	s8 =	sadd.s32 $0xFFFFE003, lr  }
0x1b: {  	s9 =	sadd.s32 $0xFFFFFEF7, lr;
	s5 =	simm.s32 $0xFFFFFFFF;
	p2 =	slt.u32 s8, $0xFFFFF086  }
0x1c: {  	p1 =	slt.u32 s9, $0xF7A;
	s5 =	simm.s32 @!p2 $0x0  }
0x1d: {  	s5 =	simm.s32 @p1 $0x1;
	p0 =	seq.s32 s7, s2  }
0x1e: {  	s7 =	smul.u32 @!p0 $0xF7A, s2;
	p2 =	seq.s32 @!p0 s5, $0x0  }
0x1f: {  	s9 =	smul.u32 $0xF7A, s1;
	s8 =	simm.s32 @!p0 $0x1BF5;
	p2 =	por !p2, p0  }
0x20: {  	[sflag:s8] =	ssyncset.s32 @!p0 $0xFFFFF086;
	s6 =	sadd.s32 @!p0 s3, s7;
	s7 =	simm.s32 @!p0 $0x108  }
0x21: {  	s3 =	sadd.s32 s3, s9;
	s6 =	sadd.s32 @!p0 $0x88, s6;
	s7 =	simm.s32 @p2 $0x1082  }
0x22: {  	[simem:s7], [sflag:s8] =	dma.local @!p0 [hbm:s6], $0xF7A  }
0x23: {  	s9 =	sor.u32 $0xD0000000, s2;
	s6 =	simm.s32 $0x108;
	_ =	swait.ge @!p0 [sflag:s8], $0x0  }
0x24: {  	s3 =	sadd.s32 $0x88, s3;
	s6 =	simm.s32 @!p1 $0x1082;
	[sflag:s4] =	ssyncset.s32 $0xFFFFF086  }
0x25: {  	[simem:s6], [sflag:s4] =	dma.local [hbm:s3], $0xF7A  }
0x26: {  	[smem:$0x3F9C] =	sst s1;
	(tag) =	ssettag s2;
	_ =	strace s9  }
0x27: {  	s1 =	sld [smem:$0x3FAC]  }
0x28: {  	s2 =	sld [smem:$0x3FAD]  }
0x29: {  	s4 =	sld [smem:$0x3FAF]  }
0x2a: {  	p0 =	seq.s32 s5, $0x0;
	s5 =	sld [smem:$0x3FB0]  }
0x2b: {  	s6 =	sld [smem:$0x3FB1]  }
0x2c: {  	s7 =	sld [smem:$0x3FB2]  }
0x2d: {  	s3 =	simm.s32 $0x108;
	s8 =	sld [smem:$0x3FB3]  }
0x2e: {  	s3 =	simm.s32 @!p0 $0x1082;
	s9 =	sld [smem:$0x3FB4]  }
0x2f: {  	lr =	sadd.s32 s0, s3;
	s0 =	sld [smem:$0x3FAB]  }
0x30: {  	s3 =	sld [smem:$0x3FAE]  }
0x31: {  	[smem:$0x3FB7] =	sst s10  }
0x32: {  	s10 =	sld [smem:$0x3FB5];
	_ =	sdelay $0x3  }
0x33: {  	p0 =	seq.s32 s10, $0x1;
	s10 =	sld [smem:$0x3FB7];
	_ =	sdelay $0x3  }
0x34: {  	[smem:$0x3FB7] =	sst s10  }
0x35: {  	s10 =	sld [smem:$0x3FB6];
	_ =	sdelay $0x3  }
0x36: {  	p1 =	seq.s32 s10, $0x1;
	s10 =	sld [smem:$0x3FB7];
	_ =	sdelay $0x3  }
0x37: {  	[smem:$0x3FB7] =	sst s10  }
0x38: {  	s10 =	sld [smem:$0x3FB8]  }
0x39: {  	_ = 	snop;
	(pc) =	sbr.ind lr, $3  }
0x3a: {  	_ = 	snop  }
0x3b: {  	_ = 	snop  }
0x3c: {  	p2 =	seq.s32 s10, $0x1;
	s10 =	sld [smem:$0x3FB7]  }
0x3d: {  	_ =	shalt  }
0x3e: {  	_ =	shalt  }
0x3f: {  	_ =	shalt  }
0x40: {  	_ =	shalt  }
0x41: {  	_ =	shalt  }
0x42: {  	_ =	shalt  }
0x43: {  	_ =	shalt  }
0x44: {  	_ =	shalt  }
0x45: {  	_ =	shalt  }
0x46: {  	_ =	shalt  }
0x47: {  	_ =	shalt  }
0x48: {  	_ =	shalt  }
0x49: {  	_ =	shalt  }
0x4a: {  	_ =	shalt  }
0x4b: {  	_ =	shalt  }
0x4c: {  	_ =	shalt  }
0x4d: {  	_ =	shalt  }
0x4e: {  	_ =	shalt  }
0x4f: {  	_ =	shalt  }
0x50: {  	_ =	shalt  }
0x51: {  	_ =	shalt  }
0x52: {  	_ =	shalt  }
0x53: {  	_ =	shalt  }
0x54: {  	_ =	shalt  }
0x55: {  	_ =	shalt  }
0x56: {  	_ =	shalt  }
0x57: {  	_ =	shalt  }
0x58: {  	_ =	shalt  }
0x59: {  	_ =	shalt  }
0x5a: {  	_ =	shalt  }
0x5b: {  	_ =	shalt  }
0x5c: {  	_ =	shalt  }
0x5d: {  	_ =	shalt  }
0x5e: {  	_ =	shalt  }
0x5f: {  	_ =	shalt  }
0x60: {  	_ =	shalt  }
0x61: {  	_ =	shalt  }
0x62: {  	_ =	shalt  }
0x63: {  	_ =	shalt  }
0x64: {  	_ =	shalt  }
0x65: {  	_ =	shalt  }
0x66: {  	_ =	shalt  }
0x67: {  	_ =	shalt  }
0x68: {  	_ =	shalt  }
0x69: {  	_ =	shalt  }
0x6a: {  	_ =	shalt  }
0x6b: {  	_ =	shalt  }
0x6c: {  	_ =	shalt  }
0x6d: {  	_ =	shalt  }
0x6e: {  	_ =	shalt  }
0x6f: {  	_ =	shalt  }
0x70: {  	_ =	shalt  }
0x71: {  	_ =	shalt  }
0x72: {  	_ =	shalt  }
0x73: {  	_ =	shalt  }
0x74: {  	_ =	shalt  }
0x75: {  	_ =	shalt  }
0x76: {  	_ =	shalt  }
0x77: {  	_ =	shalt  }
0x78: {  	_ =	shalt  }
0x79: {  	_ =	shalt  }
0x7a: {  	_ =	shalt  }
0x7b: {  	_ =	shalt  }
0x7c: {  	_ =	shalt  }
0x7d: {  	_ =	shalt  }
0x7e: {  	_ =	shalt  }
0x7f: {  	_ =	shalt  }
0x80: {  	_ =	shalt  }
0x81: {  	_ =	shalt  }
0x82: {  	_ =	shalt  }
0x83: {  	_ =	shalt  }
0x84: {  	_ =	shalt  }
0x85: {  	_ =	shalt  }
0x86: {  	_ =	shalt  }
0x87: {  	_ =	shalt  }
.Lfunc_end0:
.L_simem_size_0:
called_computation.1_lowered:
.L_overlay_start_0:
0x88: {  	s2 =	sld [smem:$0x3FD9]  }
0x89: {  	s3 =	sld [smem:$0x3FFE];
	_ =	sdelay $0x1  }
0x8a: {  	s1 =	srdreg.scid  }
0x8b: {  	s0 =	sand.u32 $0x1, s1  }
0x8c: {  	s17 =	sshll.u32 s0, $0xA;
	s2 =	sadd.s32 s3, s2  }
0x8d: {  	s2 =	sadd.s32 s2, s17  }
0x8e: {  	[smem:$0x3FC3] =	sst s2  }
0x8f: {  	_ = 	snop  }
0x90: {  	s2 =	sld [smem:$0x3FC9]  }
0x91: {  	s18 =	sld [smem:$0x3FD0];
	(tm) =	ssettm $0x1  }
0x92: {  	s4 =	sld [smem:$0x3FFB];
	_ =	sdelay $0x3  }
0x93: {  	_ =	strace s4  }
0x94: {  	s4 =	sld [smem:$0x3FFC];
	_ =	sdelay $0x3  }
0x95: {  	_ =	strace s4  }
0x96: {  	s4 =	sld [smem:$0x3FFD];
	_ =	sdelay $0x3  }
0x97: {  	_ =	strace s4  }
0x98: {  	_ =	strace $0x8FFFFFFF  }
0x99: {  	s19 =	sld [smem:$0x3FDB];
	_ =	sdelay $0x1  }
0x9a: {  	s5 =	simm.s32 $_scs_section_size  }
0x9b: {  	s6 =	simm.s32 $_size__tile_overlayer_lowered;
	s7 =	simm.s32 $_tile_overlayer_lowered  }
0x9c: {  	s22 =	simm.s32 $0x1BFF;
	s21 =	sshll.u32 s7, $0x1;
	s4 =	sadd.s32 s5, s19  }
0x9d: {  	s8 =	simm.s32 $0x0;
	s20 =	sshll.u32 s6, $0x1;
	s6 =	sadd.s32 s21, s4  }
0x9e: {  	[timem:s8], [sflag:s22] =	dma.local [hbm:s6], s20  }
0x9f: {  	_ =	swait.ge [sflag:s22], s20  }
0xa0: {  	s5 =	ssub.s32 $0x0, s20;
	[sflag:s22] =	ssyncset.done $0x0  }
0xa1: {  	[sflag:s22] =	ssyncadd.s32 s5;
	_ =	sdelay $0x1  }
0xa2: {  	s23 =	simm.s32 $0x1B8B  }
0xa3: {  	_ =	swait.ge [sflag:s23], $0x1  }
0xa4: {  	[sflag:s23] =	ssyncset.done $0x0  }
0xa5: {  	s25 =	simm.s32 $0x1B8E;
	s24 =	sld [smem:$0x3FFE];
	[sflag:s23] =	ssyncadd.s32 $0xFFFFFFFF  }
0xa6: {  	s26 =	simm.s32 $execute0_lowered;
	[smem:$0x3FD2] =	sst s25  }
0xa7: {  	s6 =	sshll.u32 s26, $0x1;
	_ =	strace $0x80000046;
	[dreg:$0x1] =	wrdreg $0xFFFFFFFF  }
0xa8: {  	s28 =	simm.s32 $_size_execute0_lowered;
	s4 =	sadd.s32 s4, s6;
	[dreg:$0x0] =	wrdreg $0x0  }
0xa9: {  	s6 =	sshll.u32 s28, $0x1;
	[dreg:$0x2] =	wrdreg s4  }
0xaa: {  	[dreg:$0x3] =	wrdreg s6  }
0xab: {  	[dreg:$0x4] =	wrdreg $0xC0  }
0xac: {  	_ =	task [dreg:s8], $0x5FFFF  }
0xad: {  	[dreg:$0x1] =	wrdreg $0xFFFFFFFF  }
0xae: {  	[dreg:$0x0] =	wrdreg $0x60  }
0xaf: {  	[dreg:$0x2] =	wrdreg s2  }
0xb0: {  	[dreg:$0x3] =	wrdreg s24  }
0xb1: {  	[dreg:$0x4] =	wrdreg s18  }
0xb2: {  	[dreg:$0x5] =	wrdreg $0x9  }
0xb3: {  	_ =	task.clear_ibuf [dreg:s8], $0x6FFFF;
	_ =	strace $0x90000046  }
0xb4: {  	s29 =	simm.s32 $0x9;
	_ =	strace $0x80000048  }
0xb5: {  	_ =	swait.ge [sflag:s29], $0x1  }
0xb6: {  	[sflag:s29] =	ssyncadd.s32 $0xFFFFFFFF  }
0xb7: {  	_ =	strace $0x90000048  }
0xb8: {  	_ =	sfence  }
0xb9: {  	s30 =	sld [smem:$0x0];
	_ =	sdelay $0x2  }
0xba: {  	s31 =	sshll.u32 s1, $0xD;
	s1 =	sshrl.u32 s1, $0x2  }
0xbb: {  	s3 =	sand.u32 $0x4000, s31;
	s1 =	sadd.s32 s1, s30  }
0xbc: {  	s0 =	sor.u32 s3, s0;
	s1 =	sshll.u32 s1, $0x11  }
0xbd: {  	s0 =	sor.u32 s1, s0  }
0xbe: {  	s0 =	sadd.s32 $0x8F2B, s0  }
0xbf: {  	[sflag:s0] =	ssyncadd.remote.s32 $0x1  }
0xc0: {  	_ =	sfence.sel $0xFFFF  }
0xc1: {  	[dreg:$0x0] =	wrdreg $0xFFFFFFFF;
	(pc) =	sbr.abs _section_cstart, $3  }
0xc2: {  	[dreg:$0x1] =	wrdreg $0xFFFFFFFF  }
0xc3: {  	_ =	task.clear_ibuf [dreg:s8], $0x2FFFF;
	_ =	strace $0x9FFFFFFF  }
0xc4: {  	(tm) =	ssettm $0x7FFFFFFF  }
0xc5: {  	_ =	shalt  }
tec
execute0_lowered:
.L_overlay_start_1:
0x0: {  	(tag) =	ssettag $0x1  }
0x1: {  	s1 =	rddreg [dreg:$0x0]  }
0x2: {  	s2 =	rddreg [dreg:$0x1]  }
0x3: {  	s3 =	rddreg [dreg:$0x2]  }
0x4: {  	s0 =	rddreg [dreg:$0x3]  }
0x5: {  	s4 =	simm.s32 $0x0;
	s5 =	srdreg.scid;
	s11 =	simm.s32 $0x1  }
0x6: {  	s12 =	simm.s32 $0x9080;
	s13 =	simm.s32 $0x9480;
	s14 =	simm.s32 $0x1000  }
0x7: {  	s15 =	simm.s32 $0x0;
	[smem:$0x7FF] =	sst s4;
	s7 =	sand.u32 $0x1, s5  }
0x8: {  	s6 =	sadd.s32 $0x200, s2;
	s5 =	stileid.u32;
	s8 =	ssub.s32 $0x2, s7  }
0x9: {  	_ =	strace $0x80000047;
	s31 =	sshll.u32 s5, $0x12;
	s9 =	sshrl.u32 s8, $0x1  }
0xa: {  	v1 =	vlaneseq.u32;
	s10 =	sshll.u32 s7, $0x11;
	s7 =	sadd.s32 $0x400, s2;
	s9 =	ssub.s32 s8, s9  }
0xb: {  	v0 =	vimm.f32 $1.000000000e+00;
	v1 =	vmul.u32 $0x8, v1;
	s8 =	sor.u32 s10, s31;
	s10 =	simm.s32 $0x9000;
	s9 =	smax.u32 s9, $0x1  }
.LBB2_1:
0xc: {  	[tilespmem:s10], [sflag:$0x1] =	stream.linear.gather [hbm4b:s2+s4], $0x80, $0x38;
	[tilespmem:$0x9490] =	vst v63  }
0xd: {  	_ =	swait.ge [sflag:s11], $0x80  }
0xe: {  	[sflag:s11] =	ssyncset.done $0x0  }
0xf: {  	[sflag:s11] =	ssyncadd.s32 $0xFFFFFF80  }
0x10: {  	[tilespmem:s12], [sflag:$0x1] =	stream.linear.gather [hbm4b:s3+s4], $0x400, $0x38;
	[tilespmem:$0x9490] =	vst v63  }
0x11: {  	_ =	swait.ge [sflag:s11], $0x400  }
0x12: {  	[sflag:s11] =	ssyncset.done $0x0  }
0x13: {  	[sflag:s11] =	ssyncadd.s32 $0xFFFFFC00  }
0x14: {  	[tilespmem:s13], [sflag:$0x1] =	stream.linear.gather [hbm4b:s6+s4], $0x10, $0x38;
	[tilespmem:$0x9490] =	vst v63  }
0x15: {  	_ =	swait.ge [sflag:s11], $0x10  }
0x16: {  	[sflag:s11] =	ssyncset.done $0x0  }
0x17: {  	s16 =	simm.s32 $0x0;
	[sflag:s11] =	ssyncadd.s32 $0xFFFFFFF0  }
.LBB2_2:
0x18: {  	s17 =	sshll.u32 s16, $0xC  }
0x19: {  	s17 =	sadd.s32 s8, s17  }
0x1a: {  	s18 =	sshrl.u32 s17, $0x3  }
0x1b: {  	s18 =	sadd.s32 s1, s18  }
0x1c: {  	[tilespmem:s4], [sflag:$0x1] =	stream.linear.gather [hbm4b:s18+s4], $0x1000, $0x38;
	[tilespmem:$0x9490] =	vst v63  }
0x1d: {  	_ =	swait.ge [sflag:s11], $0x1000  }
0x1e: {  	[sflag:s11] =	ssyncset.done $0x0  }
0x1f: {  	[sflag:s11] =	ssyncadd.s32 $0xFFFFF000  }
0x20: {  	s18 =	simm.s32 $0x40;
	v2 =	vld [tilespmem:$0x9480]  }
0x21: {  	v3 =	vld [tilespmem:s18+$0xFFFFFFC0]  }
0x22: {  	s19 =	simm.s32 $0x0  }
0x23: {  	v5 =	vmov s19  }
0x24: {  	v5 =	vshll.u32 v5, $0x3;
	v4 =	vld [tilespmem:s18+$0x30]  }
0x25: {  	v5 =	vor.u32 v1, v5;
	v7 =	vld [tilespmem:s18+$0xFFFFFFD0]  }
0x26: {  	s24 =	simm.s32 $0x10;
	v9 =	vor.u32 $0x1, v5;
	v6 =	vld [tilespmem:s18+$0x20];
	vm0 =	vge.f32 v3, v2  }
0x27: {  	v13 =	vmov s24;
	v12 =	vor.u32 $0x2, v5;
	v8 =	vld [tilespmem:s18+$0x10];
	v11 =	vsel vm0, $0x40000000, v0  }
0x28: {  	v13 =	vshll.u32 v13, $0x3;
	v36 =	vor.u32 $0x3, v5;
	v10 =	vld [tilespmem:s18+$0x0];
	v3 =	vadd.f32 v11, v3  }
0x29: {  	v13 =	vor.u32 v1, v13;
	v15 =	vld [tilespmem:s18+$0xFFFFFFE0]  }
0x2a: {  	s25 =	simm.s32 $0x20;
	v14 =	vld [tilespmem:s18+$0xFFFFFFF0];
	vm9 =	vge.f32 v7, v2;
	[tilespmem:v5+s14+$0x0] =	vst.idx.msk $0xffff, v3;
	v5 =	vor.u32 $0x1, v13  }
0x2b: {  	v17 =	vmov s25;
	v16 =	vor.u32 $0x2, v13;
	v37 =	vsel vm9, $0x40000000, v0;
	[tilespmem:v9+s14+$0x0] =	vst.idx.msk $0xffff, v3  }
0x2c: {  	v39 =	vshll.u32 v17, $0x3;
	v38 =	vor.u32 $0x3, v13;
	v7 =	vadd.f32 v37, v7;
	[tilespmem:v12+s14+$0x0] =	vst.idx.msk $0xffff, v3  }
0x2d: {  	[tilespmem:v36+s14+$0x0] =	vst.idx.msk $0xffff, v3;
	v3 =	vor.u32 v1, v39  }
0x2e: {  	s26 =	simm.s32 $0x30;
	vm10 =	vge.f32 v15, v2;
	[tilespmem:v13+s14+$0x0] =	vst.idx.msk $0xffff, v7;
	v40 =	vor.u32 $0x1, v3  }
0x2f: {  	v41 =	vmov s26;
	v12 =	vor.u32 $0x2, v3;
	[tilespmem:v5+s14+$0x0] =	vst.idx.msk $0xffff, v7;
	v5 =	vsel vm10, $0x40000000, v0  }
0x30: {  	v42 =	vor.u32 $0x3, v3;
	v13 =	vshll.u32 v41, $0x3;
	[tilespmem:v16+s14+$0x0] =	vst.idx.msk $0xffff, v7;
	v5 =	vadd.f32 v5, v15  }
0x31: {  	v43 =	vor.u32 v1, v13;
	[tilespmem:v38+s14+$0x0] =	vst.idx.msk $0xffff, v7  }
0x32: {  	s28 =	simm.s32 $0x40;
	vm11 =	vge.f32 v14, v2;
	[tilespmem:v3+s14+$0x0] =	vst.idx.msk $0xffff, v5;
	v3 =	vor.u32 $0x1, v43  }
0x33: {  	v46 =	vmov s28;
	v44 =	vsel vm11, $0x40000000, v0;
	v45 =	vor.u32 $0x2, v43;
	[tilespmem:v40+s14+$0x0] =	vst.idx.msk $0xffff, v5  }
0x34: {  	v9 =	vadd.f32 v44, v14;
	v13 =	vshll.u32 v46, $0x3;
	v47 =	vor.u32 $0x3, v43;
	[tilespmem:v12+s14+$0x0] =	vst.idx.msk $0xffff, v5  }
0x35: {  	[tilespmem:v42+s14+$0x0] =	vst.idx.msk $0xffff, v5;
	v5 =	vor.u32 v1, v13  }
0x36: {  	s29 =	simm.s32 $0x50;
	vm12 =	vge.f32 v10, v2;
	[tilespmem:v43+s14+$0x0] =	vst.idx.msk $0xffff, v9;
	v48 =	vor.u32 $0x1, v5  }
0x37: {  	v49 =	vmov s29;
	v13 =	vor.u32 $0x2, v5;
	[tilespmem:v3+s14+$0x0] =	vst.idx.msk $0xffff, v9;
	v3 =	vsel vm12, $0x40000000, v0  }
0x38: {  	v51 =	vshll.u32 v49, $0x3;
	v50 =	vor.u32 $0x3, v5;
	[tilespmem:v45+s14+$0x0] =	vst.idx.msk $0xffff, v9;
	v3 =	vadd.f32 v3, v10  }
0x39: {  	v52 =	vor.u32 v1, v51;
	[tilespmem:v47+s14+$0x0] =	vst.idx.msk $0xffff, v9  }
0x3a: {  	s30 =	simm.s32 $0x60;
	vm13 =	vge.f32 v8, v2;
	[tilespmem:v5+s14+$0x0] =	vst.idx.msk $0xffff, v3;
	v5 =	vor.u32 $0x1, v52  }
0x3b: {  	v55 =	vmov s30;
	v54 =	vor.u32 $0x2, v52;
	v53 =	vsel vm13, $0x40000000, v0;
	[tilespmem:v48+s14+$0x0] =	vst.idx.msk $0xffff, v3  }
0x3c: {  	v56 =	vor.u32 $0x3, v52;
	v8 =	vadd.f32 v53, v8;
	v12 =	vshll.u32 v55, $0x3;
	[tilespmem:v13+s14+$0x0] =	vst.idx.msk $0xffff, v3  }
0x3d: {  	[tilespmem:v50+s14+$0x0] =	vst.idx.msk $0xffff, v3;
	v3 =	vor.u32 v1, v12  }
0x3e: {  	s31 =	simm.s32 $0x70;
	vm14 =	vge.f32 v6, v2;
	[tilespmem:v52+s14+$0x0] =	vst.idx.msk $0xffff, v8;
	v57 =	vor.u32 $0x1, v3  }
0x3f: {  	v59 =	vmov s31;
	v58 =	vsel vm14, $0x40000000, v0;
	[tilespmem:v5+s14+$0x0] =	vst.idx.msk $0xffff, v8;
	v5 =	vor.u32 $0x2, v3  }
0x40: {  	v61 =	vshll.u32 v59, $0x3;
	v6 =	vadd.f32 v58, v6;
	v60 =	vor.u32 $0x3, v3;
	[tilespmem:v54+s14+$0x0] =	vst.idx.msk $0xffff, v8  }
0x41: {  	v62 =	vor.u32 v1, v61;
	[tilespmem:v56+s14+$0x0] =	vst.idx.msk $0xffff, v8  }
0x42: {  	vm15 =	vge.f32 v4, v2;
	[tilespmem:v3+s14+$0x0] =	vst.idx.msk $0xffff, v6;
	v3 =	vor.u32 $0x1, v62  }
0x43: {  	v2 =	vsel vm15, $0x40000000, v0;
	[tilespmem:v57+s14+$0x0] =	vst.idx.msk $0xffff, v6  }
0x44: {  	v2 =	vadd.f32 v2, v4;
	[tilespmem:v5+s14+$0x0] =	vst.idx.msk $0xffff, v6  }
0x45: {  	v63 =	vor.u32 $0x2, v62;
	[tilespmem:v60+s14+$0x0] =	vst.idx.msk $0xffff, v6  }
0x46: {  	[tilespmem:v62+s14+$0x0] =	vst.idx.msk $0xffff, v2  }
0x47: {  	[tilespmem:v3+s14+$0x0] =	vst.idx.msk $0xffff, v2;
	v3 =	vor.u32 $0x3, v62;
	_ =	sdelay $0x2  }
0x48: {  	s19 =	simm.s32 $0xF0;
	[tilespmem:v63+s14+$0x0] =	vst.idx.msk $0xffff, v2  }
.LBB2_3:
0x49: {  	p0 =	sne.s32 s19, $0xFF0  }
0x4a: {  	[tilespmem:v3+s14+$0x0] =	vst.idx.msk $0xffff, v2;
	s18 =	sadd.s32 $0x80, s18;
	s20 =	smov.u32 s19;
	s19 =	sadd.s32 $0x80, s19  }
0x4b: {  	v3 =	vld [tilespmem:$0x9480]  }
0x4c: {  	v4 =	vld [tilespmem:s18+$0xFFFFFFC0]  }
0x4d: {  	s21 =	sadd.s32 $0xFFFFFF90, s20  }
0x4e: {  	v5 =	vmov s21;
	v2 =	vld [tilespmem:s18+$0x30]  }
0x4f: {  	v5 =	vshll.u32 v5, $0x3;
	v6 =	vld [tilespmem:s18+$0x20]  }
0x50: {  	v5 =	vor.u32 v1, v5;
	v7 =	vld [tilespmem:s18+$0xFFFFFFD0]  }
0x51: {  	s21 =	sadd.s32 $0xFFFFFFA0, s20;
	v9 =	vor.u32 $0x1, v5;
	vm0 =	vge.f32 v4, v3;
	v8 =	vld [tilespmem:s18+$0x10]  }
0x52: {  	v13 =	vmov s21;
	v12 =	vor.u32 $0x2, v5;
	v10 =	vld [tilespmem:s18+$0x0];
	v11 =	vsel vm0, $0x40000000, v0  }
0x53: {  	v13 =	vshll.u32 v13, $0x3;
	v14 =	vld [tilespmem:s18+$0xFFFFFFF0];
	v4 =	vadd.f32 v11, v4;
	v11 =	vor.u32 $0x3, v5  }
0x54: {  	v13 =	vor.u32 v1, v13;
	vm1 =	vge.f32 v2, v3;
	v15 =	vld [tilespmem:s18+$0xFFFFFFE0];
	vm0 =	vge.f32 v6, v3  }
0x55: {  	s21 =	sadd.s32 $0xFFFFFFB0, s20;
	vm2 =	vge.f32 v7, v3;
	[tilespmem:v5+s14+$0x0] =	vst.idx.msk $0xffff, v4;
	v5 =	vor.u32 $0x1, v13;
	v16 =	vsel vm0, $0x40000000, v0  }
0x56: {  	v18 =	vmov s21;
	v17 =	vor.u32 $0x2, v13;
	[tilespmem:v9+s14+$0x0] =	vst.idx.msk $0xffff, v4;
	v9 =	vsel vm2, $0x40000000, v0  }
0x57: {  	[tilespmem:v12+s14+$0x0] =	vst.idx.msk $0xffff, v4;
	v7 =	vadd.f32 v9, v7;
	v9 =	vor.u32 $0x3, v13;
	v12 =	vshll.u32 v18, $0x3  }
0x58: {  	vm0 =	vge.f32 v14, v3;
	[tilespmem:v11+s14+$0x0] =	vst.idx.msk $0xffff, v4;
	v4 =	vor.u32 v1, v12;
	v11 =	vsel vm1, $0x40000000, v0  }
0x59: {  	s21 =	sadd.s32 $0xFFFFFFC0, s20;
	vm1 =	vge.f32 v15, v3;
	[tilespmem:v13+s14+$0x0] =	vst.idx.msk $0xffff, v7;
	v12 =	vor.u32 $0x1, v4;
	v13 =	vsel vm0, $0x40000000, v0  }
0x5a: {  	v19 =	vmov s21;
	v18 =	vor.u32 $0x2, v4;
	[tilespmem:v5+s14+$0x0] =	vst.idx.msk $0xffff, v7;
	v5 =	vsel vm1, $0x40000000, v0  }
0x5b: {  	[tilespmem:v17+s14+$0x0] =	vst.idx.msk $0xffff, v7;
	v5 =	vadd.f32 v5, v15;
	v15 =	vor.u32 $0x3, v4;
	v17 =	vshll.u32 v19, $0x3  }
0x5c: {  	vm0 =	vge.f32 v10, v3;
	[tilespmem:v9+s14+$0x0] =	vst.idx.msk $0xffff, v7;
	v7 =	vor.u32 v1, v17  }
0x5d: {  	s21 =	sadd.s32 $0xFFFFFFD0, s20;
	vm1 =	vge.f32 v8, v3;
	[tilespmem:v4+s14+$0x0] =	vst.idx.msk $0xffff, v5;
	v3 =	vor.u32 $0x1, v7  }
0x5e: {  	v9 =	vmov s21;
	v4 =	vor.u32 $0x2, v7;
	[tilespmem:v12+s14+$0x0] =	vst.idx.msk $0xffff, v5;
	v12 =	vsel vm1, $0x40000000, v0  }
0x5f: {  	v13 =	vadd.f32 v13, v14;
	v14 =	vor.u32 $0x3, v7;
	v9 =	vshll.u32 v9, $0x3;
	[tilespmem:v18+s14+$0x0] =	vst.idx.msk $0xffff, v5  }
0x60: {  	[tilespmem:v15+s14+$0x0] =	vst.idx.msk $0xffff, v5;
	v5 =	vor.u32 v1, v9  }
0x61: {  	s21 =	sadd.s32 $0xFFFFFFE0, s20;
	[tilespmem:v7+s14+$0x0] =	vst.idx.msk $0xffff, v13;
	v7 =	vor.u32 $0x1, v5  }
0x62: {  	v15 =	vmov s21;
	v9 =	vor.u32 $0x2, v5;
	[tilespmem:v3+s14+$0x0] =	vst.idx.msk $0xffff, v13;
	v3 =	vsel vm0, $0x40000000, v0  }
0x63: {  	[tilespmem:v4+s14+$0x0] =	vst.idx.msk $0xffff, v13;
	v3 =	vadd.f32 v3, v10;
	v4 =	vor.u32 $0x3, v5;
	v10 =	vshll.u32 v15, $0x3  }
0x64: {  	[tilespmem:v14+s14+$0x0] =	vst.idx.msk $0xffff, v13;
	v10 =	vor.u32 v1, v10  }
0x65: {  	s21 =	sadd.s32 $0xFFFFFFF0, s20;
	[tilespmem:v5+s14+$0x0] =	vst.idx.msk $0xffff, v3;
	v5 =	vor.u32 $0x1, v10  }
0x66: {  	v13 =	vmov s21;
	[tilespmem:v7+s14+$0x0] =	vst.idx.msk $0xffff, v3;
	v7 =	vor.u32 $0x2, v10  }
0x67: {  	v8 =	vadd.f32 v12, v8;
	v12 =	vshll.u32 v13, $0x3;
	[tilespmem:v9+s14+$0x0] =	vst.idx.msk $0xffff, v3;
	v9 =	vor.u32 $0x3, v10  }
0x68: {  	[tilespmem:v4+s14+$0x0] =	vst.idx.msk $0xffff, v3;
	v3 =	vor.u32 v1, v12  }
0x69: {  	[tilespmem:v10+s14+$0x0] =	vst.idx.msk $0xffff, v8;
	v4 =	vor.u32 $0x1, v3  }
0x6a: {  	v10 =	vmov s20;
	[tilespmem:v5+s14+$0x0] =	vst.idx.msk $0xffff, v8;
	v5 =	vor.u32 $0x2, v3  }
0x6b: {  	v6 =	vadd.f32 v16, v6;
	v10 =	vshll.u32 v10, $0x3;
	[tilespmem:v7+s14+$0x0] =	vst.idx.msk $0xffff, v8;
	v7 =	vor.u32 $0x3, v3  }
0x6c: {  	[tilespmem:v9+s14+$0x0] =	vst.idx.msk $0xffff, v8;
	v8 =	vor.u32 v1, v10  }
0x6d: {  	[tilespmem:v3+s14+$0x0] =	vst.idx.msk $0xffff, v6;
	v9 =	vor.u32 $0x1, v8  }
0x6e: {  	[tilespmem:v4+s14+$0x0] =	vst.idx.msk $0xffff, v6;
	v4 =	vor.u32 $0x2, v8  }
.Ltmp0:
0x6f: {  	v2 =	vadd.f32 v11, v2;
	v3 =	vor.u32 $0x3, v8;
	[tilespmem:v5+s14+$0x0] =	vst.idx.msk $0xffff, v6;
	(pc) =	sbr.rel @p0 .LBB2_3-.Ltmp0, $4  }
0x70: {  	[tilespmem:v7+s14+$0x0] =	vst.idx.msk $0xffff, v6  }
0x71: {  	[tilespmem:v8+s14+$0x0] =	vst.idx.msk $0xffff, v2  }
0x72: {  	[tilespmem:v9+s14+$0x0] =	vst.idx.msk $0xffff, v2  }
0x73: {  	[tilespmem:v4+s14+$0x0] =	vst.idx.msk $0xffff, v2  }
0x74: {  	_ =	sdelay $0x1  }
0x75: {  	s16 =	sadd.s32 $0x1, s16  }
0x76: {  	p0 =	sne.s32 s16, $0x20  }
.Ltmp1:
0x77: {  	[tilespmem:v3+s14+$0x0] =	vst.idx.msk $0xffff, v2;
	s17 =	sadd.s32 s7, s17;
	(pc) =	sbr.rel @p0 .LBB2_2-.Ltmp1, $4  }
0x78: {  	[hbm4b:s17+s4] =	stream.linear.scatter [tilespmem:s14], [sflag:$0x1], $0x8000, $0x38;
	[tilespmem:$0x9490] =	vst v63  }
0x79: {  	_ =	swait.ge [sflag:s11], $0x8000  }
0x7a: {  	[sflag:s11] =	ssyncset.done $0x0  }
0x7b: {  	[sflag:s11] =	ssyncadd.s32 $0xFFFF8000  }
0x7c: {  	s15 =	sadd.s32 $0x1, s15  }
0x7d: {  	p0 =	sne.s32 s15, s9  }
.Ltmp2:
0x7e: {  	_ = 	snop;
	(pc) =	sbr.rel @p0 .LBB2_1-.Ltmp2, $1  }
0x7f: {  	_ =	sdelay $0x3  }
0x80: {  	_ =	sfence.sel $0x180000  }
0x81: {  	[bflag:$0x0] =	sbarrier.arrive $0xFFFF  }
0x82: {  	p0 =	sne.s32 s5, $0x0;
	_ =	strace $0x90000047  }
0x83: {  	s0 =	sadd.s32 @!p0 $0x100000, s0;
	[bflag:$0x2] =	sbarrier.arrive $0xFFFF  }
0x84: {  	[sflag:s0] =	ssyncadd.tile.s32 @!p0 $0x1;
	_ =	shalt  }
.Lfunc_end2:
_tile_overlayer_lowered:
.L_overlay_start_2:
0x85: {  	(tag) =	ssettag $0x2  }
0x86: {  	s0 =	rddreg [dreg:$0x0];
	s2 =	stileid.u32  }
0x87: {  	s1 =	rddreg [dreg:$0x1];
	p0 =	sne.s32 s2, $0x0  }
0x88: {  	s3 =	rddreg [dreg:$0x2];
	[bflag:$0x3] =	sbarrier.arrive $0xFFFF;
	s2 =	simm.s32 @!p0 $0x1C01  }
0x89: {  	[timem:s3], [sflag:s2] =	dma.local @!p0 [hbm:s0], s1  }
0x8a: {  	s0 =	simm.s32 @!p0 $0x1  }
0x8b: {  	_ =	swait.ge @!p0 [sflag:s0], s1  }
0x8c: {  	s1 =	ssub.s32 @!p0 $0x0, s1;
	[sflag:s0] =	ssyncset.done @!p0 $0x0  }
0x8d: {  	[sflag:s0] =	ssyncadd.s32 @!p0 s1  }
0x8e: {  	[bflag:$0x3] =	sbarrier.arrive $0xFFFF  }
0x8f: {  	_ =	shalt  }

// kernel: sparse-core-data-format-call.cloned.1.call-start
scs
called_computation_lowered:
.L_overlay_start_0:
0x0: {  	s2 =	sld [smem:$0x3FD9]  }
0x1: {  	s3 =	sld [smem:$0x3FFE];
	_ =	sdelay $0x1  }
0x2: {  	s1 =	srdreg.scid  }
0x3: {  	s0 =	sand.u32 $0x1, s1  }
0x4: {  	s18 =	sshll.u32 s0, $0xA;
	s2 =	sadd.s32 s3, s2  }
0x5: {  	s2 =	sadd.s32 s2, s18  }
0x6: {  	[smem:$0x3FC3] =	sst s2  }
0x7: {  	_ = 	snop  }
0x8: {  	s2 =	sld [smem:$0x3FD0];
	(tm) =	ssettm $0x1  }
0x9: {  	s19 =	sld [smem:$0x3FFB];
	_ =	sdelay $0x3  }
0xa: {  	_ =	strace s19  }
0xb: {  	s3 =	sld [smem:$0x3FFC];
	_ =	sdelay $0x3  }
0xc: {  	_ =	strace s3  }
0xd: {  	s3 =	sld [smem:$0x3FFD];
	_ =	sdelay $0x3  }
0xe: {  	_ =	strace s3  }
0xf: {  	_ =	strace $0x8FFFFFFF  }
0x10: {  	s20 =	sld [smem:$0x3FDB];
	_ =	sdelay $0x1  }
0x11: {  	s4 =	simm.s32 $_scs_section_size  }
0x12: {  	s5 =	simm.s32 $_size__tile_overlayer_lowered;
	s6 =	simm.s32 $_tile_overlayer_lowered  }
0x13: {  	s23 =	simm.s32 $0x1BFF;
	s22 =	sshll.u32 s6, $0x1;
	s3 =	sadd.s32 s4, s20  }
0x14: {  	s7 =	simm.s32 $0x0;
	s21 =	sshll.u32 s5, $0x1;
	s5 =	sadd.s32 s22, s3  }
0x15: {  	[timem:s7], [sflag:s23] =	dma.local [hbm:s5], s21  }
0x16: {  	_ =	swait.ge [sflag:s23], s21  }
0x17: {  	s4 =	ssub.s32 $0x0, s21;
	[sflag:s23] =	ssyncset.done $0x0  }
0x18: {  	[sflag:s23] =	ssyncadd.s32 s4;
	_ =	sdelay $0x1  }
0x19: {  	s24 =	simm.s32 $0x1B8B  }
0x1a: {  	_ =	swait.ge [sflag:s24], $0x1  }
0x1b: {  	[sflag:s24] =	ssyncset.done $0x0  }
0x1c: {  	s26 =	simm.s32 $0x1B8E;
	s25 =	sld [smem:$0x3FFE];
	[sflag:s24] =	ssyncadd.s32 $0xFFFFFFFF  }
0x1d: {  	s27 =	simm.s32 $execute0_lowered;
	[smem:$0x3FD2] =	sst s26  }
0x1e: {  	s5 =	sshll.u32 s27, $0x1;
	_ =	strace $0x80000049;
	[dreg:$0x1] =	wrdreg $0xFFFFFFFF  }
0x1f: {  	s28 =	simm.s32 $_size_execute0_lowered;
	s3 =	sadd.s32 s3, s5;
	[dreg:$0x0] =	wrdreg $0x0  }
0x20: {  	s5 =	sshll.u32 s28, $0x1;
	[dreg:$0x2] =	wrdreg s3  }
0x21: {  	[dreg:$0x3] =	wrdreg s5  }
0x22: {  	[dreg:$0x4] =	wrdreg $0xC0  }
0x23: {  	_ =	task [dreg:s7], $0x5FFFF  }
0x24: {  	[dreg:$0x1] =	wrdreg $0xFFFFFFFF  }
0x25: {  	[dreg:$0x0] =	wrdreg $0x60  }
0x26: {  	[dreg:$0x2] =	wrdreg s25  }
0x27: {  	[dreg:$0x3] =	wrdreg s2  }
0x28: {  	[dreg:$0x4] =	wrdreg $0x9  }
0x29: {  	_ =	task.clear_ibuf [dreg:s7], $0x5FFFF;
	_ =	strace $0x90000049  }
0x2a: {  	s29 =	simm.s32 $0x9;
	_ =	strace $0x8000004B  }
0x2b: {  	_ =	swait.ge [sflag:s29], $0x1  }
0x2c: {  	[sflag:s29] =	ssyncadd.s32 $0xFFFFFFFF  }
0x2d: {  	_ =	strace $0x9000004B  }
0x2e: {  	_ =	sfence  }
0x2f: {  	s30 =	sld [smem:$0x0];
	_ =	sdelay $0x2  }
0x30: {  	s31 =	sshll.u32 s1, $0xD;
	s1 =	sshrl.u32 s1, $0x2  }
0x31: {  	s3 =	sand.u32 $0x4000, s31;
	s1 =	sadd.s32 s1, s30  }
0x32: {  	s0 =	sor.u32 s3, s0;
	s1 =	sshll.u32 s1, $0x11  }
0x33: {  	s0 =	sor.u32 s1, s0  }
0x34: {  	s0 =	sadd.s32 $0x8F2B, s0  }
0x35: {  	[sflag:s0] =	ssyncadd.remote.s32 $0x1  }
0x36: {  	_ =	sfence.sel $0xFFFF  }
0x37: {  	[dreg:$0x0] =	wrdreg $0xFFFFFFFF;
	(pc) =	sbr.abs _section_cstart, $3  }
0x38: {  	[dreg:$0x1] =	wrdreg $0xFFFFFFFF  }
0x39: {  	_ =	task.clear_ibuf [dreg:s7], $0x2FFFF;
	_ =	strace $0x9FFFFFFF  }
0x3a: {  	(tm) =	ssettm $0x7FFFFFFF  }
0x3b: {  	_ =	shalt  }
tec
execute0_lowered:
.L_overlay_start_1:
0x0: {  	(tag) =	ssettag $0x1  }
0x1: {  	s0 =	srdreg.scid  }
0x2: {  	s5 =	rddreg [dreg:$0x0];
	s1 =	sshll.u32 s0, $0x4  }
0x3: {  	s2 =	rddreg [dreg:$0x1];
	s0 =	stileid.u32;
	s1 =	sand.u32 $0x10, s1  }
0x4: {  	s4 =	simm.s32 $0x1;
	s8 =	simm.s32 $0x2;
	s1 =	sor.u32 s0, s1  }
0x5: {  	s12 =	simm.s32 $0x0;
	s9 =	simm.s32 $0x0;
	s3 =	sshll.u32 s1, $0x7  }
0x6: {  	s11 =	simm.s32 $0x0;
	s5 =	sadd.s32 $0x400400, s5;
	s6 =	ssub.s32 $0x400000, s3  }
.Ltmp0:
0x7: {  	s1 =	rddreg [dreg:$0x2];
	s7 =	sand.u32 $0xF80, s6;
	(pc) =	sbr.rel .LBB1_1-.Ltmp0, $4  }
0x8: {  	_ =	strace $0x8000004A;
	p0 =	sne.s32 s7, $0x0;
	s7 =	simm.s32 $0x1  }
0x9: {  	[sflag:s4] =	ssyncpa.u1 $0x0;
	s6 =	sshrl.u32 s6, $0xC;
	s7 =	simm.s32 @!p0 $0x0  }
0xa: {  	s10 =	smov.u32 s3;
	[sflag:s8] =	ssyncpa.u1 $0x0;
	s6 =	sadd.s32 s7, s6  }
0xb: {  	s8 =	simm.s32 $0x1000000;
	p0 =	por $0x0, $0x0;
	s7 =	sadd.s32 $0x1, s6  }
.LBB1_4:
0xc: {  	p1 =	sgt.s32 s9, $0x3FFF80;
	s15 =	smov.u32 s9;
	s16 =	sshra.s32 s9, $0x1F  }
0xd: {  	s15 =	simm.s32 @!p1 $0x3FFF80;
	s16 =	sand.u32 s16, s9  }
0xe: {  	s15 =	ssub.s32 s15, s16  }
0xf: {  	s28 =	sand.u32 $0x78, s9;
	s17 =	sshll.u32 s9, $0x2;
	s15 =	sadd.s32 $0xFFC00080, s15  }
0x10: {  	s17 =	sand.u32 $0xFFFE00, s17;
	p1 =	sgt.s32 s15, $0x7F;
	s15 =	sshll.u32 s15, $0x4  }
0x11: {  	s29 =	sand.u32 $0x7, s9;
	s16 =	sor.u32 s28, s17;
	s15 =	ssub.s32 $0x800, s15  }
0x12: {  	s17 =	sshll.u32 s29, $0x12;
	s16 =	sshrl.u32 s16, $0x3;
	s15 =	sshrl.u32 s15, $0x2  }
0x13: {  	[tilespmem:s14+$0x0 ss:$0x81] =	vst.msk $0xffff, v0;
	s31 =	sor.u32 $0x200, s17;
	s30 =	sadd.s32 s2, s16;
	s15 =	simm.s32 @p1 $0x0  }
0x14: {  	[hbm4b:s30+s31] =	stream.strided.scatter [tilespmem:s13], [sflag:$0x2], s15, s8, s31, $0x20;
	[tilespmem:$0x4040] =	vst v63  }
.LBB1_5:
0x15: {  	p1 =	slt.u32 s11, $0x2  }
0x16: {  	p2 =	sgt.s32 @!p1 s12, $0x3FFF80  }
0x17: {  	s13 =	smov.u32 s12;
	s14 =	sshra.s32 @!p1 s12, $0x1F;
	p2 =	por !p2, p1  }
0x18: {  	s12 =	sand.u32 @!p1 s14, s12;
	s13 =	simm.s32 @p2 $0x3FFF80  }
0x19: {  	s12 =	ssub.s32 @!p1 s13, s12  }
0x1a: {  	s12 =	sadd.s32 @!p1 $0xFFC00080, s12  }
0x1b: {  	s13 =	sshll.u32 @!p1 s12, $0x4  }
0x1c: {  	p2 =	sgt.s32 @!p1 s12, $0x7F;
	s12 =	ssub.s32 @!p1 $0x800, s13  }
0x1d: {  	s14 =	sadd.s32 $0x1000, s10;
	p2 =	por !p2, p1;
	s12 =	sshrl.u32 @!p1 s12, $0x2  }
0x1e: {  	s12 =	simm.s32 @!p2 $0x0;
	p2 =	sgt.s32 s14, $0x3FFFFF  }
0x1f: {  	s14 =	smov.u32 @p2 s3;
	p2 =	sne.s32 s11, s7  }
.Ltmp1:
0x20: {  	_ = 	snop;
	(pc) =	sbr.rel @!p2 .LBB1_6-.Ltmp1, $4  }
0x21: {  	s13 =	simm.s32 @!p1 $0x2  }
0x22: {  	p0 =	por !p0, !p0;
	_ =	swait.ge @!p1 [sflag:s13], s12;
	s15 =	ssub.s32 @!p1 $0x0, s12  }
0x23: {  	s12 =	smov.u32 s9;
	s11 =	sadd.s32 $0x1, s11;
	[sflag:s13] =	ssyncset.done @!p1 $0x0  }
0x24: {  	s9 =	smov.u32 s10;
	s10 =	smov.u32 s14;
	[sflag:s13] =	ssyncadd.s32 @!p1 s15  }
.LBB1_1:
0x25: {  	p1 =	sge.u32 s11, s6  }
0x26: {  	s31 =	sadd.s32 $0xFFFFFFFF, s11;
	s13 =	sxor.u32 @!p1 $0xFFFFFFFF, s11;
	s14 =	sshll.u32 @!p1 s10, $0x4  }
0x27: {  	s15 =	simm.s32 @!p1 $0x20;
	s13 =	sshll.u32 @!p1 s13, $0xC;
	s14 =	sand.u32 @!p1 $0x3FFFFF0, s14  }
0x28: {  	s16 =	simm.s32 @!p1 $0x80;
	s13 =	sand.u32 @!p1 $0x1000, s13;
	s14 =	sadd.s32 @!p1 s5, s14  }
0x29: {  	[tilespmem:s13], [sflag:$0x1] =	stream.strided.gather @!p1 [hbm4b:s14+s15], $0x1000, s16, s15, $0x38;
	[tilespmem:$0x4040] =	vst v63  }
0x2a: {  	p1 =	sge.u32 s31, s6  }
.Ltmp2:
0x2b: {  	_ = 	snop;
	(pc) =	sbr.rel @p1 .LBB1_5-.Ltmp2, $1  }
0x2c: {  	_ =	sdelay $0x3  }
0x2d: {  	s13 =	simm.s32 $0x1  }
0x2e: {  	_ =	swait.ge [sflag:s4], $0x1000;
	s13 =	simm.s32 @!p0 $0x0  }
0x2f: {  	[sflag:s4] =	ssyncset.done $0x0;
	s14 =	sshll.u32 s13, $0xC  }
0x30: {  	[sflag:s4] =	ssyncadd.s32 $0xFFFFF000;
	s17 =	sor.u32 $0x10, s14  }
0x31: {  	s13 =	smul.u32 $0x4080, s13;
	v1 =	vld [tilespmem:s17+$0x0]  }
0x32: {  	s30 =	sand.u32 $0x1, s11;
	v0 =	vld [tilespmem:s17+$0xFFFFFFF0]  }
0x33: {  	s14 =	smul.u32 $0x4080, s30;
	s13 =	sshrl.u32 s13, $0x2  }
0x34: {  	s15 =	sor.u32 $0x2000, s13  }
0x35: {  	s31 =	sshrl.u32 s14, $0x2;
	s14 =	sadd.s32 $0x0, s15  }
0x36: {  	s16 =	simm.s32 $0x4;
	s17 =	sadd.s32 $0x20, s17;
	s13 =	sor.u32 $0x2000, s31;
	[tilespmem:s14+$0x810 ss:$0x81] =	vst.msk $0xffff, v1  }
.LBB1_3:
0x37: {  	v1 =	vld [tilespmem:s17+$0x0];
	p1 =	sne.s32 s16, $0x1FC;
	[tilespmem:s14+$0x0 ss:$0x81] =	vst.msk $0xffff, v0;
	s14 =	smov.u32 s16;
	s16 =	sadd.s32 $0x4, s16  }
.Ltmp3:
0x38: {  	v0 =	vld [tilespmem:s17+$0xFFFFFFF0];
	(pc) =	sbr.rel @p1 .LBB1_3-.Ltmp3, $4  }
0x39: {  	_ = 	snop  }
0x3a: {  	s14 =	sshra.s32 s14, $0x2  }
0x3b: {  	s14 =	sadd.s32 s14, s15  }
0x3c: {  	s17 =	sadd.s32 $0x20, s17;
	[tilespmem:s14+$0x810 ss:$0x81] =	vst.msk $0xffff, v1  }
.Ltmp4:
0x3d: {  	_ = 	snop;
	(pc) =	sbr.rel .LBB1_4-.Ltmp4, $1  }
0x3e: {  	_ =	sdelay $0x3  }
.LBB1_6:
0x3f: {  	_ =	sfence.sel $0x180000  }
0x40: {  	s2 =	simm.s32 $0x1;
	[bflag:$0x0] =	sbarrier.arrive $0xFFFF  }
0x41: {  	s31 =	simm.s32 $0x2;
	[sflag:s2] =	ssyncpa.u1 $0x1  }
0x42: {  	[sflag:s31] =	ssyncpa.u1 $0x1  }
0x43: {  	p0 =	sne.s32 s0, $0x0;
	_ =	strace $0x9000004A  }
0x44: {  	s0 =	sadd.s32 @!p0 $0x100000, s1;
	[bflag:$0x2] =	sbarrier.arrive $0xFFFF  }
0x45: {  	[sflag:s0] =	ssyncadd.tile.s32 @!p0 $0x1;
	_ =	shalt  }
.Lfunc_end1:
_tile_overlayer_lowered:
.L_overlay_start_2:
0x46: {  	(tag) =	ssettag $0x2  }
0x47: {  	s0 =	rddreg [dreg:$0x0];
	s2 =	stileid.u32  }
0x48: {  	s1 =	rddreg [dreg:$0x1];
	p0 =	sne.s32 s2, $0x0  }
0x49: {  	s3 =	rddreg [dreg:$0x2];
	[bflag:$0x3] =	sbarrier.arrive $0xFFFF;
	s2 =	simm.s32 @!p0 $0x1C01  }
0x4a: {  	[timem:s3], [sflag:s2] =	dma.local @!p0 [hbm:s0], s1  }
0x4b: {  	s0 =	simm.s32 @!p0 $0x1  }
0x4c: {  	_ =	swait.ge @!p0 [sflag:s0], s1  }
0x4d: {  	s1 =	ssub.s32 @!p0 $0x0, s1;
	[sflag:s0] =	ssyncset.done @!p0 $0x0  }
0x4e: {  	[sflag:s0] =	ssyncadd.s32 @!p0 s1  }
0x4f: {  	[bflag:$0x3] =	sbarrier.arrive $0xFFFF  }
0x50: {  	_ =	shalt  }

</sc_bundles>
